<compile_context>
chip_gen: v7x
topology: tpu7x:2x2x1
jax: 0.10.2.dev20260603
libtpu: 0.0.44.dev20260713+nightly
codegen_flags: <defaults>
</compile_context>

<pallas_src>
import jax
import jax.numpy as jnp
from jax.experimental import pallas as pl
from jax.experimental.pallas import tpu as pltpu
from jax.experimental.pallas import tpu_sc as plsc

_B, _N, _S, _D = 8, 4096, 1024, 256
_C = 512
_NB1 = 1024
_NB2 = 2048
_NB3 = 2048
_BN_EPS = 1e-5
_CNT = float(_B * _N)


def _split(x):
    hi = x.astype(jnp.bfloat16)
    lo = (x - hi.astype(jnp.float32)).astype(jnp.bfloat16)
    return hi, lo


def _mm3(ah, al, bh, bl, dims):
    mm = lambda u, v: jax.lax.dot_general(u, v, (dims, ((), ())),
                                          preferred_element_type=jnp.float32)
    return mm(ah, bh) + (mm(ah, bl) + mm(al, bh))


def _stage1a(x1_ref, x2_ref, idx_ref, w4_ref):
    b = pl.program_id(0)
    nb = pl.program_id(1)

    x1 = x1_ref[0]
    x2 = x2_ref[0]
    dot = jax.lax.dot_general(x1, x2, (((1,), (0,)), ((), ())),
                              preferred_element_type=jnp.float32)
    sq1 = jnp.sum(x1 * x1, axis=1, keepdims=True)
    sq2 = jnp.sum(x2 * x2, axis=0, keepdims=True)
    d = (sq1 + sq2) - 2.0 * dot

    iota = jax.lax.broadcasted_iota(jnp.int32, (_NB1, _S), 1).astype(jnp.float32)
    cur = d
    norm = jnp.zeros((_NB1, 1), dtype=jnp.float32)
    idx_list, r_list = [], []
    for k in range(4):
        m = jnp.min(cur, axis=1, keepdims=True)
        idx = jnp.min(jnp.where(cur == m, iota, jnp.float32(_S)),
                      axis=1, keepdims=True)
        hit = iota == idx
        r = 1.0 / (m + 1e-8)
        norm = norm + r
        idx_list.append(idx)
        r_list.append(r)
        if k < 3:
            cur = jnp.where(hit, jnp.float32(jnp.inf), cur)

    inv_norm = 1.0 / norm
    base = b * _S
    idx_ref[0] = jnp.concatenate(
        [ix.astype(jnp.int32) + base for ix in idx_list], axis=1)
    w4_ref[0] = jnp.concatenate(
        [r * inv_norm for r in r_list], axis=1)


def _stage1b(g_ref, w4_ref, p1_ref, w1h_ref, w1l_ref, b1_ref,
             h1_ref, s_ref, ss_ref):
    b = pl.program_id(0)
    nb = pl.program_id(1)

    g = g_ref[0]
    w4 = w4_ref[0]
    interp = (g[:, 0, :] * w4[:, 0:1] + g[:, 1, :] * w4[:, 1:2]
              + g[:, 2, :] * w4[:, 2:3] + g[:, 3, :] * w4[:, 3:4])

    p1h, p1l = _split(p1_ref[0])
    ih, il = _split(interp)
    h = _mm3(w1h_ref[:, :_D], w1l_ref[:, :_D], p1h, p1l, ((1,), (1,)))
    h = h + _mm3(w1h_ref[:, _D:], w1l_ref[:, _D:], ih, il, ((1,), (1,)))
    h = h + b1_ref[...]
    h1_ref[0] = h

    @pl.when(jnp.logical_and(b == 0, nb == 0))
    def _():
        s_ref[...] = jnp.zeros_like(s_ref)
        ss_ref[...] = jnp.zeros_like(ss_ref)

    s_ref[...] += jnp.sum(h, axis=1, keepdims=True)
    ss_ref[...] += jnp.sum(h * h, axis=1, keepdims=True)


_GW = 128


def _sc_gather(p2flat, gidx):
    n_idx = gidx.shape[0]
    gidx2 = gidx.reshape(1, n_idx)

    @pl.kernel(out_type=jax.ShapeDtypeStruct((n_idx, _D), jnp.float32),
               mesh=plsc.VectorSubcoreMesh(core_axis_name="c",
                                           subcore_axis_name="s"))
    def k(p2_hbm, i_hbm, o_hbm):
        def body(i_vmem, o_vmem):
            pltpu.sync_copy(p2_hbm.at[i_vmem.at[0]], o_vmem)

        pltpu.emit_pipeline(
            body,
            grid=(n_idx // _GW,),
            in_specs=[pl.BlockSpec((1, _GW), index_map=lambda i: (0, i))],
            out_specs=[pl.BlockSpec((_GW, _D), index_map=lambda i: (i, 0))],
            core_axis_name=("c", "s"),
            dimension_semantics=(pltpu.PARALLEL,),
        )(i_hbm, o_hbm)

    return k(p2flat, gidx2)


def _stage2(h1_ref, s_ref, ss_ref, g_ref, be_ref, w2h_ref, w2l_ref, b2_ref,
            h2_ref, s2_ref, ss2_ref):
    b = pl.program_id(0)
    nb = pl.program_id(1)

    mean = s_ref[...] * (1.0 / _CNT)
    var = ss_ref[...] * (1.0 / _CNT) - mean * mean
    scale = g_ref[...] * jax.lax.rsqrt(var + _BN_EPS)
    shift = be_ref[...] - mean * scale

    a = jnp.maximum(h1_ref[0] * scale + shift, 0.0)
    ah, al = _split(a)
    h = _mm3(w2h_ref[...], w2l_ref[...], ah, al, ((1,), (0,)))
    h = h + b2_ref[...]
    h2_ref[0] = h

    @pl.when(jnp.logical_and(b == 0, nb == 0))
    def _():
        s2_ref[...] = jnp.zeros_like(s2_ref)
        ss2_ref[...] = jnp.zeros_like(ss2_ref)

    s2_ref[...] += jnp.sum(h, axis=1, keepdims=True)
    ss2_ref[...] += jnp.sum(h * h, axis=1, keepdims=True)


def _stage3(h2_ref, s_ref, ss_ref, g_ref, be_ref, out_ref):
    mean = s_ref[...] * (1.0 / _CNT)
    var = ss_ref[...] * (1.0 / _CNT) - mean * mean
    scale = g_ref[...] * jax.lax.rsqrt(var + _BN_EPS)
    shift = be_ref[...] - mean * scale
    out_ref[0] = jnp.maximum(h2_ref[0] * scale + shift, 0.0)


def kernel(xyz1, xyz2, points1, points2, W1, b1, g1, be1, W2, b2, g2, be2):
    x1t = jnp.transpose(xyz1, (0, 2, 1))
    col = lambda v: v.reshape(_C, 1)
    w1h, w1l = _split(W1)
    w2h, w2l = _split(W2)

    idx4, w4 = pl.pallas_call(
        _stage1a,
        grid=(_B, _N // _NB1),
        in_specs=[
            pl.BlockSpec((1, _NB1, 3), lambda b, n: (b, n, 0)),
            pl.BlockSpec((1, 3, _S), lambda b, n: (b, 0, 0)),
        ],
        out_specs=[
            pl.BlockSpec((1, _NB1, 4), lambda b, n: (b, n, 0)),
            pl.BlockSpec((1, _NB1, 4), lambda b, n: (b, n, 0)),
        ],
        out_shape=[
            jax.ShapeDtypeStruct((_B, _N, 4), jnp.int32),
            jax.ShapeDtypeStruct((_B, _N, 4), jnp.float32),
        ],
    )(x1t, xyz2)

    p2flat = jnp.transpose(points2, (0, 2, 1)).reshape(_B * _S, _D)
    gathered = _sc_gather(p2flat, idx4.reshape(_B * _N * 4))
    g4 = gathered.reshape(_B, _N, 4, _D)

    h1, s1, ss1 = pl.pallas_call(
        _stage1b,
        grid=(_B, _N // _NB1),
        in_specs=[
            pl.BlockSpec((1, _NB1, 4, _D), lambda b, n: (b, n, 0, 0)),
            pl.BlockSpec((1, _NB1, 4), lambda b, n: (b, n, 0)),
            pl.BlockSpec((1, _NB1, _D), lambda b, n: (b, n, 0)),
            pl.BlockSpec((_C, _C), lambda b, n: (0, 0)),
            pl.BlockSpec((_C, _C), lambda b, n: (0, 0)),
            pl.BlockSpec((_C, 1), lambda b, n: (0, 0)),
        ],
        out_specs=[
            pl.BlockSpec((1, _C, _NB1), lambda b, n: (b, 0, n)),
            pl.BlockSpec((_C, 1), lambda b, n: (0, 0)),
            pl.BlockSpec((_C, 1), lambda b, n: (0, 0)),
        ],
        out_shape=[
            jax.ShapeDtypeStruct((_B, _C, _N), jnp.float32),
            jax.ShapeDtypeStruct((_C, 1), jnp.float32),
            jax.ShapeDtypeStruct((_C, 1), jnp.float32),
        ],
    )(g4, w4, points1, w1h, w1l, col(b1))

    h2, s2, ss2 = pl.pallas_call(
        _stage2,
        grid=(_B, _N // _NB2),
        in_specs=[
            pl.BlockSpec((1, _C, _NB2), lambda b, n: (b, 0, n)),
            pl.BlockSpec((_C, 1), lambda b, n: (0, 0)),
            pl.BlockSpec((_C, 1), lambda b, n: (0, 0)),
            pl.BlockSpec((_C, 1), lambda b, n: (0, 0)),
            pl.BlockSpec((_C, 1), lambda b, n: (0, 0)),
            pl.BlockSpec((_C, _C), lambda b, n: (0, 0)),
            pl.BlockSpec((_C, _C), lambda b, n: (0, 0)),
            pl.BlockSpec((_C, 1), lambda b, n: (0, 0)),
        ],
        out_specs=[
            pl.BlockSpec((1, _C, _NB2), lambda b, n: (b, 0, n)),
            pl.BlockSpec((_C, 1), lambda b, n: (0, 0)),
            pl.BlockSpec((_C, 1), lambda b, n: (0, 0)),
        ],
        out_shape=[
            jax.ShapeDtypeStruct((_B, _C, _N), jnp.float32),
            jax.ShapeDtypeStruct((_C, 1), jnp.float32),
            jax.ShapeDtypeStruct((_C, 1), jnp.float32),
        ],
    )(h1, s1, ss1, col(g1), col(be1), w2h, w2l, col(b2))

    out = pl.pallas_call(
        _stage3,
        grid=(_B, _N // _NB3),
        in_specs=[
            pl.BlockSpec((1, _C, _NB3), lambda b, n: (b, 0, n)),
            pl.BlockSpec((_C, 1), lambda b, n: (0, 0)),
            pl.BlockSpec((_C, 1), lambda b, n: (0, 0)),
            pl.BlockSpec((_C, 1), lambda b, n: (0, 0)),
            pl.BlockSpec((_C, 1), lambda b, n: (0, 0)),
        ],
        out_specs=pl.BlockSpec((1, _C, _NB3), lambda b, n: (b, 0, n)),
        out_shape=jax.ShapeDtypeStruct((_B, _C, _N), jnp.float32),
    )(h2, s2, ss2, col(g2), col(be2))

    return out

# --- scband reference (transcript-rebuilt; emitter-appended) ---
"""Pipeline reference for scband-point-net-feature-propagation-446676598906 (READ-ONLY COPY).

The authoritative reference and input builder live on the scoring server;
editing this copy changes nothing except your own understanding.
"""

import jax, jax.numpy as jnp
import numpy as np

B, N, S, D = 8, 4096, 1024, 256
C_IN = 2 * D  # 512 after concat(points1, interpolated)
C_OUT = 512


def setup_inputs(seed: int = 0) -> dict:
    key = jax.random.key(seed)
    ks = jax.random.split(key, 12)
    return {
        "xyz1": jax.random.normal(ks[0], (B, 3, N), dtype=jnp.float32),
        "xyz2": jax.random.normal(ks[1], (B, 3, S), dtype=jnp.float32),
        "points1": jax.random.normal(ks[2], (B, N, D), dtype=jnp.float32),
        "points2": jax.random.normal(ks[3], (B, D, S), dtype=jnp.float32),
        "W1": jax.random.normal(ks[4], (C_OUT, C_IN), dtype=jnp.float32) * 0.02,
        "b1": jnp.zeros((C_OUT,), dtype=jnp.float32),
        "g1": jnp.ones((C_OUT,), dtype=jnp.float32),
        "be1": jnp.zeros((C_OUT,), dtype=jnp.float32),
        "W2": jax.random.normal(ks[5], (C_OUT, C_OUT), dtype=jnp.float32) * 0.02,
        "b2": jnp.zeros((C_OUT,), dtype=jnp.float32),
        "g2": jnp.ones((C_OUT,), dtype=jnp.float32),
        "be2": jnp.zeros((C_OUT,), dtype=jnp.float32),
    }


def _batchnorm1d(x, gamma, beta, eps=1e-5):
    # training-mode BN over [B, C, L]: stats over (batch, length) per channel
    mean = jnp.mean(x, axis=(0, 2), keepdims=True)
    var = jnp.var(x, axis=(0, 2), keepdims=True)
    xhat = (x - mean) / jnp.sqrt(var + eps)
    return gamma[None, :, None] * xhat + beta[None, :, None]


def reference(xyz1, xyz2, points1, points2, W1, b1, g1, be1, W2, b2, g2, be2):
    x1 = jnp.transpose(xyz1, (0, 2, 1))  # [B, N, 3]
    x2 = jnp.transpose(xyz2, (0, 2, 1))  # [B, S, 3]
    p2 = jnp.transpose(points2, (0, 2, 1))  # [B, S, D]

    # square_distance -> dist_ori (full 3D squared euclidean)
    d = -2.0 * jnp.einsum('bnc,bmc->bnm', x1, x2)
    d = d + jnp.sum(x1 ** 2, axis=-1)[:, :, None]
    d = d + jnp.sum(x2 ** 2, axis=-1)[:, None, :]

    # 4 nearest neighbors (smallest distances) == sort + take first 4
    neg_vals, idx = jax.lax.top_k(-d, 4)  # idx: [B, N, 4]
    dists = -neg_vals

    dist_recip = 1.0 / (dists + 1e-8)
    norm = jnp.sum(dist_recip, axis=2, keepdims=True)
    weight = dist_recip / norm  # [B, N, 4]

    gathered = jax.vmap(lambda p, i: p[i])(p2, idx)  # [B, N, 4, D]
    interpolated = jnp.sum(gathered * weight[..., None], axis=2)  # [B, N, D]

    new_points = jnp.concatenate([points1, interpolated], axis=-1)  # [B, N, 2D]
    new_points = jnp.transpose(new_points, (0, 2, 1))  # [B, 2D, N]

    h = jnp.einsum('oc,bcn->bon', W1, new_points) + b1[None, :, None]
    h = jax.nn.relu(_batchnorm1d(h, g1, be1))
    h = jnp.einsum('oc,bcn->bon', W2, h) + b2[None, :, None]
    h = jax.nn.relu(_batchnorm1d(h, g2, be2))
    return h

if __name__ == "__main__":
    import jax
    _d = setup_inputs()
    print(jax.jit(kernel)(*tuple(_d.values())))

</pallas_src>

<mosaic_0001>
#map = affine_map<(d0, d1) -> (0, 0)>
module attributes {stable_mosaic.version = 14 : i64} {
  func.func @k(%arg0: i32, %arg1: i32, %arg2: memref<8192x256xf32, #tpu.memory_space<hbm>>, %arg3: memref<1x131072xi32, #tpu.memory_space<hbm>>, %arg4: memref<131072x256xf32, #tpu.memory_space<hbm>>) attributes {dimension_semantics = [#tpu.dimension_semantics<core_parallel>, #tpu.dimension_semantics<subcore_parallel>], iteration_bounds = array<i64: 2, 16>, scalar_prefetch = 0 : i64, scratch_operands = 0 : i64, tpu.core_type = #tpu.core_type<sc_vector_subcore>, window_params = [{transform_indices = #map}, {transform_indices = #map}, {transform_indices = #map}]} {
    %mul3A = arith.constant 1 : i32
    %mul3A_0 = arith.muli %arg1, %mul3A : i32
    %add3A = arith.constant 0 : i32
    %add3A_1 = arith.addi %add3A, %mul3A_0 : i32
    %mul3A_2 = arith.constant 16 : i32
    %mul3A_3 = arith.muli %arg0, %mul3A_2 : i32
    %add3A_4 = arith.addi %add3A_1, %mul3A_3 : i32
    %mul3A_5 = arith.constant 32 : i32
    %mul3A_6 = arith.muli %add3A_4, %mul3A_5 : i32
    "tpu.region"() ({
      %run_scoped3A = memref.alloca() : memref<2x1x128xi32, #tpu.memory_space<vmem>>
      %run_scoped3A_7 = tpu.sem_alloc : memref<2x!tpu.dma_semaphore, #tpu.memory_space<semaphore_mem>>
      %run_scoped3A_8 = memref.alloca() : memref<2x128x256xf32, #tpu.memory_space<vmem>>
      %run_scoped3A_9 = tpu.sem_alloc : memref<2x!tpu.dma_semaphore, #tpu.memory_space<semaphore_mem>>
      %add3A_10 = arith.constant 0 : i32
      %add3A_11 = arith.addi %add3A_10, %mul3A_6 : i32
      %select_n3A = arith.constant true
      %select_n3A_12 = arith.constant 0 : i32
      %select_n3A_13 = arith.constant -1 : i32
      %select_n3A_14 = arith.select %select_n3A, %select_n3A_13, %select_n3A_12 : i32
      %eq3A = arith.constant -1 : i32
      %eq3A_15 = arith.cmpi eq, %select_n3A_14, %eq3A : i32
      %select_n3A_16 = arith.constant 31 : i32
      %select_n3A_17 = arith.select %eq3A_15, %select_n3A_16, %select_n3A_14 : i32
      %add3A_18 = arith.addi %select_n3A_17, %mul3A_6 : i32
      %select_n3A_19 = arith.constant true
      %select_n3A_20 = arith.constant 0 : i32
      %select_n3A_21 = arith.constant 1 : i32
      %select_n3A_22 = arith.select %select_n3A_19, %select_n3A_21, %select_n3A_20 : i32
      %eq3A_23 = arith.constant 32 : i32
      %eq3A_24 = arith.cmpi eq, %select_n3A_22, %eq3A_23 : i32
      %select_n3A_25 = arith.constant 0 : i32
      %select_n3A_26 = arith.select %eq3A_24, %select_n3A_25, %select_n3A_22 : i32
      %add3A_27 = arith.addi %select_n3A_26, %mul3A_6 : i32
      %add3A_28 = arith.constant 1 : i32
      %add3A_29 = arith.addi %select_n3A_26, %add3A_28 : i32
      %select_n3A_30 = arith.constant true
      %select_n3A_31 = arith.select %select_n3A_30, %add3A_29, %select_n3A_26 : i32
      %eq3A_32 = arith.constant 32 : i32
      %eq3A_33 = arith.cmpi eq, %select_n3A_31, %eq3A_32 : i32
      %select_n3A_34 = arith.constant 0 : i32
      %select_n3A_35 = arith.select %eq3A_33, %select_n3A_34, %select_n3A_31 : i32
      %add3A_36 = arith.addi %select_n3A_35, %mul3A_6 : i32
      "tpu.trace_start"() <{level = 10 : i32, message = "ep_initialize_0"}> : () -> ()
      %rem3A = arith.constant 0 : i32
      %rem3A_37 = arith.constant 2 : i32
      %rem3A_38 = arith.remui %rem3A, %rem3A_37 : i32
      %mul3A_39 = arith.constant 128 : i32
      %mul3A_40 = arith.muli %mul3A_39, %add3A_11 : i32
      %dma_start3A = arith.constant 0 : i32
      %dma_start3A_41 = arith.constant 0 : i32
      %dma_start3A_42 = tpu.memref_slice %run_scoped3A[%rem3A_38, %dma_start3A, %dma_start3A_41] : memref<2x1x128xi32, #tpu.memory_space<vmem>> -> memref<1x1x128xi32, #tpu.memory_space<vmem>>
      %dma_start3A_43 = tpu.memref_squeeze %dma_start3A_42 : memref<1x1x128xi32, #tpu.memory_space<vmem>> -> memref<1x128xi32, #tpu.memory_space<vmem>>
      %dma_start3A_44 = arith.constant 0 : i32
      %dma_start3A_45 = tpu.memref_slice %arg3[%dma_start3A_44, %mul3A_40] : memref<1x131072xi32, #tpu.memory_space<hbm>> -> memref<1x128xi32, #tpu.memory_space<hbm>>
      %dma_start3A_46 = tpu.memref_slice %run_scoped3A_7[%rem3A_38] : memref<2x!tpu.dma_semaphore, #tpu.memory_space<semaphore_mem>> -> memref<1x!tpu.dma_semaphore, #tpu.memory_space<semaphore_mem>>
      %dma_start3A_47 = tpu.memref_squeeze %dma_start3A_46 : memref<1x!tpu.dma_semaphore, #tpu.memory_space<semaphore_mem>> -> memref<!tpu.dma_semaphore, #tpu.memory_space<semaphore_mem>>
      %dma_start3A_48 = arith.constant 0 : i32
      %dma_start3A_49 = arith.constant 0 : i32
      %dma_start3A_50 = tpu.memref_slice %run_scoped3A[%rem3A_38, %dma_start3A_48, %dma_start3A_49] : memref<2x1x128xi32, #tpu.memory_space<vmem>> -> memref<1x1x128xi32, #tpu.memory_space<vmem>>
      %dma_start3A_51 = tpu.memref_squeeze %dma_start3A_50 : memref<1x1x128xi32, #tpu.memory_space<vmem>> -> memref<1x128xi32, #tpu.memory_space<vmem>>
      %dma_start3A_52 = arith.constant 0 : i32
      %dma_start3A_53 = tpu.memref_slice %arg3[%dma_start3A_52, %mul3A_40] : memref<1x131072xi32, #tpu.memory_space<hbm>> -> memref<1x128xi32, #tpu.memory_space<hbm>>
      tpu.enqueue_dma source(%dma_start3A_53 : memref<1x128xi32, #tpu.memory_space<hbm>>) target(%dma_start3A_51 : memref<1x128xi32, #tpu.memory_space<vmem>>) target_semaphore(%dma_start3A_47 : memref<!tpu.dma_semaphore, #tpu.memory_space<semaphore_mem>>)
      %add3A_54 = arith.constant 0 : i32
      %add3A_55 = arith.constant 1 : i32
      %add3A_56 = arith.addi %add3A_54, %add3A_55 : i32
      %select_n3A_57 = arith.constant true
      %select_n3A_58 = arith.constant 0 : i32
      %select_n3A_59 = arith.select %select_n3A_57, %add3A_56, %select_n3A_58 : i32
      "tpu.trace_stop"() : () -> ()
      %scan3A = arith.constant 0 : i32
      %scan3A_60 = arith.constant 0 : i32
      %scan3A_61 = arith.constant 0 : i32
      %scan3A_62 = arith.constant 0 : i32
      %scan3A_63 = arith.constant 0 : i32
      %scan3A_64 = arith.constant 32 : i32
      %scan3A_65 = arith.addi %scan3A_63, %scan3A_64 : i32
      %scan3A_66 = arith.constant 1 : i32
      %scan3A_67:5 = scf.for %scan3A_121 = %scan3A_63 to %scan3A_65 step %scan3A_66 iter_args(%scan3A_122 = %select_n3A_59, %scan3A_123 = %scan3A, %scan3A_124 = %scan3A_60, %scan3A_125 = %scan3A_61, %scan3A_126 = %scan3A_62) -> (i32, i32, i32, i32, i32)  : i32 {
        %eq3A_127 = arith.constant 0 : i32
        %eq3A_128 = arith.cmpi eq, %scan3A_121, %eq3A_127 : i32
        %eq3A_129 = arith.constant 31 : i32
        %eq3A_130 = arith.cmpi eq, %scan3A_121, %eq3A_129 : i32
        %add3A_131 = arith.addi %scan3A_126, %mul3A_6 : i32
        %sub3A_132 = arith.constant 1 : i32
        %sub3A_133 = arith.subi %scan3A_126, %sub3A_132 : i32
        %select_n3A_134 = arith.constant true
        %select_n3A_135 = arith.select %select_n3A_134, %sub3A_133, %scan3A_126 : i32
        %eq3A_136 = arith.constant -1 : i32
        %eq3A_137 = arith.cmpi eq, %select_n3A_135, %eq3A_136 : i32
        %select_n3A_138 = arith.constant 31 : i32
        %select_n3A_139 = arith.select %eq3A_137, %select_n3A_138, %select_n3A_135 : i32
        %add3A_140 = arith.addi %select_n3A_139, %mul3A_6 : i32
        %add3A_141 = arith.constant 1 : i32
        %add3A_142 = arith.addi %scan3A_126, %add3A_141 : i32
        %select_n3A_143 = arith.constant true
        %select_n3A_144 = arith.select %select_n3A_143, %add3A_142, %scan3A_126 : i32
        %eq3A_145 = arith.constant 32 : i32
        %eq3A_146 = arith.cmpi eq, %select_n3A_144, %eq3A_145 : i32
        %select_n3A_147 = arith.constant 0 : i32
        %select_n3A_148 = arith.select %eq3A_146, %select_n3A_147, %select_n3A_144 : i32
        %add3A_149 = arith.addi %select_n3A_148, %mul3A_6 : i32
        %add3A_150 = arith.constant 1 : i32
        %add3A_151 = arith.addi %select_n3A_148, %add3A_150 : i32
        %select_n3A_152 = arith.constant true
        %select_n3A_153 = arith.select %select_n3A_152, %add3A_151, %select_n3A_148 : i32
        %eq3A_154 = arith.constant 32 : i32
        %eq3A_155 = arith.cmpi eq, %select_n3A_153, %eq3A_154 : i32
        %select_n3A_156 = arith.constant 0 : i32
        %select_n3A_157 = arith.select %eq3A_155, %select_n3A_156, %select_n3A_153 : i32
        %add3A_158 = arith.addi %select_n3A_157, %mul3A_6 : i32
        %ne3A = arith.cmpi ne, %add3A_131, %add3A_149 : i32
        %or3A = arith.constant false
        %or3A_159 = arith.ori %or3A, %ne3A : i1
        %ge3A = arith.constant 31 : i32
        %ge3A_160 = arith.cmpi sge, %scan3A_121, %ge3A : i32
        %not3A = arith.constant true
        %not3A_161 = arith.xori %ge3A_160, %not3A : i1
        %and3A = arith.andi %or3A_159, %not3A_161 : i1
        %convert_element_type3A = arith.extui %and3A : i1 to i32
        %cond3A = arith.constant 0 : i32
        %cond3A_162 = arith.cmpi ne, %convert_element_type3A, %cond3A : i32
        scf.if %cond3A_162 {
          "tpu.trace_start"() <{level = 10 : i32, message = "ep_copy_in"}> : () -> ()
          %rem3A_264 = arith.constant 2 : i32
          %rem3A_265 = arith.remui %scan3A_122, %rem3A_264 : i32
          %mul3A_266 = arith.constant 128 : i32
          %mul3A_267 = arith.muli %mul3A_266, %add3A_149 : i32
          %dma_start3A_268 = arith.constant 0 : i32
          %dma_start3A_269 = arith.constant 0 : i32
          %dma_start3A_270 = tpu.memref_slice %run_scoped3A[%rem3A_265, %dma_start3A_268, %dma_start3A_269] : memref<2x1x128xi32, #tpu.memory_space<vmem>> -> memref<1x1x128xi32, #tpu.memory_space<vmem>>
          %dma_start3A_271 = tpu.memref_squeeze %dma_start3A_270 : memref<1x1x128xi32, #tpu.memory_space<vmem>> -> memref<1x128xi32, #tpu.memory_space<vmem>>
          %dma_start3A_272 = arith.constant 0 : i32
          %dma_start3A_273 = tpu.memref_slice %arg3[%dma_start3A_272, %mul3A_267] : memref<1x131072xi32, #tpu.memory_space<hbm>> -> memref<1x128xi32, #tpu.memory_space<hbm>>
          %dma_start3A_274 = tpu.memref_slice %run_scoped3A_7[%rem3A_265] : memref<2x!tpu.dma_semaphore, #tpu.memory_space<semaphore_mem>> -> memref<1x!tpu.dma_semaphore, #tpu.memory_space<semaphore_mem>>
          %dma_start3A_275 = tpu.memref_squeeze %dma_start3A_274 : memref<1x!tpu.dma_semaphore, #tpu.memory_space<semaphore_mem>> -> memref<!tpu.dma_semaphore, #tpu.memory_space<semaphore_mem>>
          %dma_start3A_276 = arith.constant 0 : i32
          %dma_start3A_277 = arith.constant 0 : i32
          %dma_start3A_278 = tpu.memref_slice %run_scoped3A[%rem3A_265, %dma_start3A_276, %dma_start3A_277] : memref<2x1x128xi32, #tpu.memory_space<vmem>> -> memref<1x1x128xi32, #tpu.memory_space<vmem>>
          %dma_start3A_279 = tpu.memref_squeeze %dma_start3A_278 : memref<1x1x128xi32, #tpu.memory_space<vmem>> -> memref<1x128xi32, #tpu.memory_space<vmem>>
          %dma_start3A_280 = arith.constant 0 : i32
          %dma_start3A_281 = tpu.memref_slice %arg3[%dma_start3A_280, %mul3A_267] : memref<1x131072xi32, #tpu.memory_space<hbm>> -> memref<1x128xi32, #tpu.memory_space<hbm>>
          tpu.enqueue_dma source(%dma_start3A_281 : memref<1x128xi32, #tpu.memory_space<hbm>>) target(%dma_start3A_279 : memref<1x128xi32, #tpu.memory_space<vmem>>) target_semaphore(%dma_start3A_275 : memref<!tpu.dma_semaphore, #tpu.memory_space<semaphore_mem>>)
          "tpu.trace_stop"() : () -> ()
        } else {
        }
        %and3A_163 = arith.constant true
        %and3A_164 = arith.andi %and3A, %and3A_163 : i1
        %add3A_165 = arith.constant 1 : i32
        %add3A_166 = arith.addi %scan3A_122, %add3A_165 : i32
        %select_n3A_167 = arith.select %and3A_164, %add3A_166, %scan3A_122 : i32
        %ne3A_168 = arith.cmpi ne, %add3A_131, %add3A_149 : i32
        %or3A_169 = arith.constant false
        %or3A_170 = arith.ori %or3A_169, %ne3A_168 : i1
        %or3A_171 = arith.constant false
        %or3A_172 = arith.ori %or3A_170, %or3A_171 : i1
        %ge3A_173 = arith.constant 31 : i32
        %ge3A_174 = arith.cmpi sge, %scan3A_121, %ge3A_173 : i32
        %not3A_175 = arith.constant true
        %not3A_176 = arith.xori %ge3A_174, %not3A_175 : i1
        %and3A_177 = arith.andi %or3A_172, %not3A_176 : i1
        %ne3A_178 = arith.cmpi ne, %add3A_131, %add3A_140 : i32
        %or3A_179 = arith.constant false
        %or3A_180 = arith.ori %or3A_179, %ne3A_178 : i1
        %or3A_181 = arith.ori %or3A_180, %eq3A_128 : i1
        %convert_element_type3A_182 = arith.extui %or3A_181 : i1 to i32
        %cond3A_183 = arith.constant 0 : i32
        %cond3A_184 = arith.cmpi ne, %convert_element_type3A_182, %cond3A_183 : i32
        scf.if %cond3A_184 {
          "tpu.trace_start"() <{level = 10 : i32, message = "ep_wait_in"}> : () -> ()
          %mul3A_264 = arith.constant 128 : i32
          %mul3A_265 = arith.muli %mul3A_264, %add3A_131 : i32
          %rem3A_266 = arith.constant 2 : i32
          %rem3A_267 = arith.remui %scan3A_123, %rem3A_266 : i32
          %dma_wait3A_268 = arith.constant 0 : i32
          %dma_wait3A_269 = arith.constant 0 : i32
          %dma_wait3A_270 = tpu.memref_slice %run_scoped3A[%rem3A_267, %dma_wait3A_268, %dma_wait3A_269] : memref<2x1x128xi32, #tpu.memory_space<vmem>> -> memref<1x1x128xi32, #tpu.memory_space<vmem>>
          %dma_wait3A_271 = tpu.memref_squeeze %dma_wait3A_270 : memref<1x1x128xi32, #tpu.memory_space<vmem>> -> memref<1x128xi32, #tpu.memory_space<vmem>>
          %dma_wait3A_272 = arith.constant 0 : i32
          %dma_wait3A_273 = tpu.memref_slice %arg3[%dma_wait3A_272, %mul3A_265] : memref<1x131072xi32, #tpu.memory_space<hbm>> -> memref<1x128xi32, #tpu.memory_space<hbm>>
          %dma_wait3A_274 = tpu.memref_slice %run_scoped3A_7[%rem3A_267] : memref<2x!tpu.dma_semaphore, #tpu.memory_space<semaphore_mem>> -> memref<1x!tpu.dma_semaphore, #tpu.memory_space<semaphore_mem>>
          %dma_wait3A_275 = tpu.memref_squeeze %dma_wait3A_274 : memref<1x!tpu.dma_semaphore, #tpu.memory_space<semaphore_mem>> -> memref<!tpu.dma_semaphore, #tpu.memory_space<semaphore_mem>>
          %dma_wait3A_276 = arith.constant 0 : i32
          %dma_wait3A_277 = arith.constant 0 : i32
          %dma_wait3A_278 = tpu.memref_slice %run_scoped3A[%rem3A_267, %dma_wait3A_276, %dma_wait3A_277] : memref<2x1x128xi32, #tpu.memory_space<vmem>> -> memref<1x1x128xi32, #tpu.memory_space<vmem>>
          %dma_wait3A_279 = tpu.memref_squeeze %dma_wait3A_278 : memref<1x1x128xi32, #tpu.memory_space<vmem>> -> memref<1x128xi32, #tpu.memory_space<vmem>>
          %dma_wait3A_280 = arith.constant 0 : i32
          %dma_wait3A_281 = tpu.memref_slice %arg3[%dma_wait3A_280, %mul3A_265] : memref<1x131072xi32, #tpu.memory_space<hbm>> -> memref<1x128xi32, #tpu.memory_space<hbm>>
          tpu.wait_dma2 semaphore(%dma_wait3A_275 : memref<!tpu.dma_semaphore, #tpu.memory_space<semaphore_mem>>) src(%dma_wait3A_281 : memref<1x128xi32, #tpu.memory_space<hbm>>) dst(%dma_wait3A_279 : memref<1x128xi32, #tpu.memory_space<vmem>>)
          "tpu.trace_stop"() : () -> ()
        } else {
        }
        %ne3A_185 = arith.cmpi ne, %add3A_131, %add3A_140 : i32
        %or3A_186 = arith.constant false
        %or3A_187 = arith.ori %or3A_186, %ne3A_185 : i1
        %or3A_188 = arith.constant false
        %or3A_189 = arith.ori %or3A_187, %or3A_188 : i1
        %or3A_190 = arith.ori %or3A_189, %eq3A_128 : i1
        %convert_element_type3A_191 = arith.extui %or3A_190 : i1 to i32
        %cond3A_192 = arith.constant 0 : i32
        %cond3A_193 = arith.cmpi ne, %convert_element_type3A_191, %cond3A_192 : i32
        scf.if %cond3A_193 {
        } else {
        }
        %rem3A_194 = arith.constant 2 : i32
        %rem3A_195 = arith.remui %scan3A_123, %rem3A_194 : i32
        %rem3A_196 = arith.constant 2 : i32
        %rem3A_197 = arith.remui %scan3A_124, %rem3A_196 : i32
        %run_scoped3A_198 = arith.constant 0 : i32
        "tpu.trace_start"() <{level = 10 : i32, message = "ep_run_kernel"}> : () -> ()
        "tpu.region"() ({
          %run_scoped3A_264 = tpu.sem_alloc : memref<!tpu.dma_semaphore, #tpu.memory_space<semaphore_mem>>
          %dma_start3A_265 = arith.constant 0 : i32
          %dma_start3A_266 = arith.constant 0 : i32
          %dma_start3A_267 = tpu.memref_slice %run_scoped3A_8[%rem3A_197, %dma_start3A_265, %dma_start3A_266] : memref<2x128x256xf32, #tpu.memory_space<vmem>> -> memref<1x128x256xf32, #tpu.memory_space<vmem>>
          %dma_start3A_268 = tpu.memref_squeeze %dma_start3A_267 : memref<1x128x256xf32, #tpu.memory_space<vmem>> -> memref<128x256xf32, #tpu.memory_space<vmem>>
          %dma_start3A_269 = arith.constant 0 : i32
          %dma_start3A_270 = arith.constant 0 : i32
          %dma_start3A_271 = tpu.memref_slice %run_scoped3A[%rem3A_195, %dma_start3A_269, %dma_start3A_270] : memref<2x1x128xi32, #tpu.memory_space<vmem>> -> memref<1x1x128xi32, #tpu.memory_space<vmem>>
          %dma_start3A_272 = tpu.memref_squeeze %dma_start3A_271 : memref<1x1x128xi32, #tpu.memory_space<vmem>> -> memref<1x128xi32, #tpu.memory_space<vmem>>
          %dma_start3A_273 = arith.constant 0 : i32
          %dma_start3A_274 = tpu.memref_slice %dma_start3A_272[%run_scoped3A_198, %dma_start3A_273] : memref<1x128xi32, #tpu.memory_space<vmem>> -> memref<1x128xi32, #tpu.memory_space<vmem>>
          %dma_start3A_275 = tpu.memref_squeeze %dma_start3A_274 : memref<1x128xi32, #tpu.memory_space<vmem>> -> memref<128xi32, #tpu.memory_space<vmem>>
          %dma_start3A_276 = arith.constant 0 : i32
          %dma_start3A_277 = arith.constant 0 : i32
          %dma_start3A_278 = tpu.memref_slice %arg2[%dma_start3A_276, %dma_start3A_277] : memref<8192x256xf32, #tpu.memory_space<hbm>> -> memref<8192x256xf32, #tpu.memory_space<hbm>>
          tpu.enqueue_indirect_dma source(%dma_start3A_278 : memref<8192x256xf32, #tpu.memory_space<hbm>>) target(%dma_start3A_268 : memref<128x256xf32, #tpu.memory_space<vmem>>) offsets(%dma_start3A_275 : memref<128xi32, #tpu.memory_space<vmem>>) semaphore(%run_scoped3A_264 : memref<!tpu.dma_semaphore, #tpu.memory_space<semaphore_mem>>)
          %dma_wait3A_279 = arith.constant 0 : i32
          %dma_wait3A_280 = arith.constant 0 : i32
          %dma_wait3A_281 = tpu.memref_slice %run_scoped3A_8[%rem3A_197, %dma_wait3A_279, %dma_wait3A_280] : memref<2x128x256xf32, #tpu.memory_space<vmem>> -> memref<1x128x256xf32, #tpu.memory_space<vmem>>
          %dma_wait3A_282 = tpu.memref_squeeze %dma_wait3A_281 : memref<1x128x256xf32, #tpu.memory_space<vmem>> -> memref<128x256xf32, #tpu.memory_space<vmem>>
          %dma_wait3A_283 = arith.constant 0 : i32
          %dma_wait3A_284 = arith.constant 0 : i32
          %dma_wait3A_285 = tpu.memref_slice %run_scoped3A[%rem3A_195, %dma_wait3A_283, %dma_wait3A_284] : memref<2x1x128xi32, #tpu.memory_space<vmem>> -> memref<1x1x128xi32, #tpu.memory_space<vmem>>
          %dma_wait3A_286 = tpu.memref_squeeze %dma_wait3A_285 : memref<1x1x128xi32, #tpu.memory_space<vmem>> -> memref<1x128xi32, #tpu.memory_space<vmem>>
          %dma_wait3A_287 = arith.constant 0 : i32
          %dma_wait3A_288 = tpu.memref_slice %dma_wait3A_286[%run_scoped3A_198, %dma_wait3A_287] : memref<1x128xi32, #tpu.memory_space<vmem>> -> memref<1x128xi32, #tpu.memory_space<vmem>>
          %dma_wait3A_289 = tpu.memref_squeeze %dma_wait3A_288 : memref<1x128xi32, #tpu.memory_space<vmem>> -> memref<128xi32, #tpu.memory_space<vmem>>
          %dma_wait3A_290 = arith.constant 0 : i32
          %dma_wait3A_291 = arith.constant 0 : i32
          %dma_wait3A_292 = tpu.memref_slice %arg2[%dma_wait3A_290, %dma_wait3A_291] : memref<8192x256xf32, #tpu.memory_space<hbm>> -> memref<8192x256xf32, #tpu.memory_space<hbm>>
          tpu.wait_indirect_dma semaphore(%run_scoped3A_264 : memref<!tpu.dma_semaphore, #tpu.memory_space<semaphore_mem>>) src(%dma_wait3A_292 : memref<8192x256xf32, #tpu.memory_space<hbm>>) dst(%dma_wait3A_282 : memref<128x256xf32, #tpu.memory_space<vmem>>)
          tpu.yield
        }) : () -> ()
        "tpu.trace_stop"() : () -> ()
        %ne3A_199 = arith.cmpi ne, %add3A_131, %add3A_149 : i32
        %or3A_200 = arith.constant false
        %or3A_201 = arith.ori %or3A_200, %ne3A_199 : i1
        %or3A_202 = arith.ori %or3A_201, %eq3A_130 : i1
        %convert_element_type3A_203 = arith.extui %or3A_202 : i1 to i32
        %cond3A_204 = arith.constant 0 : i32
        %cond3A_205 = arith.cmpi ne, %convert_element_type3A_203, %cond3A_204 : i32
        scf.if %cond3A_205 {
        } else {
        }
        %and3A_206 = arith.constant false
        %and3A_207 = arith.andi %or3A_202, %and3A_206 : i1
        %ne3A_208 = arith.cmpi ne, %add3A_131, %add3A_149 : i32
        %or3A_209 = arith.constant false
        %or3A_210 = arith.ori %or3A_209, %ne3A_208 : i1
        %or3A_211 = arith.constant false
        %or3A_212 = arith.ori %or3A_210, %or3A_211 : i1
        %or3A_213 = arith.ori %or3A_212, %eq3A_130 : i1
        %convert_element_type3A_214 = arith.extui %or3A_213 : i1 to i32
        %cond3A_215 = arith.constant 0 : i32
        %cond3A_216 = arith.cmpi ne, %convert_element_type3A_214, %cond3A_215 : i32
        scf.if %cond3A_216 {
          "tpu.trace_start"() <{level = 10 : i32, message = "ep_copy_out"}> : () -> ()
          %rem3A_264 = arith.constant 2 : i32
          %rem3A_265 = arith.remui %scan3A_124, %rem3A_264 : i32
          %mul3A_266 = arith.constant 128 : i32
          %mul3A_267 = arith.muli %mul3A_266, %add3A_131 : i32
          %dma_start3A_268 = arith.constant 0 : i32
          %dma_start3A_269 = arith.constant 0 : i32
          %dma_start3A_270 = tpu.memref_slice %run_scoped3A_8[%rem3A_265, %dma_start3A_268, %dma_start3A_269] : memref<2x128x256xf32, #tpu.memory_space<vmem>> -> memref<1x128x256xf32, #tpu.memory_space<vmem>>
          %dma_start3A_271 = tpu.memref_squeeze %dma_start3A_270 : memref<1x128x256xf32, #tpu.memory_space<vmem>> -> memref<128x256xf32, #tpu.memory_space<vmem>>
          %dma_start3A_272 = arith.constant 0 : i32
          %dma_start3A_273 = tpu.memref_slice %arg4[%mul3A_267, %dma_start3A_272] : memref<131072x256xf32, #tpu.memory_space<hbm>> -> memref<128x256xf32, #tpu.memory_space<hbm>>
          %dma_start3A_274 = tpu.memref_slice %run_scoped3A_9[%rem3A_265] : memref<2x!tpu.dma_semaphore, #tpu.memory_space<semaphore_mem>> -> memref<1x!tpu.dma_semaphore, #tpu.memory_space<semaphore_mem>>
          %dma_start3A_275 = tpu.memref_squeeze %dma_start3A_274 : memref<1x!tpu.dma_semaphore, #tpu.memory_space<semaphore_mem>> -> memref<!tpu.dma_semaphore, #tpu.memory_space<semaphore_mem>>
          %dma_start3A_276 = arith.constant 0 : i32
          %dma_start3A_277 = tpu.memref_slice %arg4[%mul3A_267, %dma_start3A_276] : memref<131072x256xf32, #tpu.memory_space<hbm>> -> memref<128x256xf32, #tpu.memory_space<hbm>>
          %dma_start3A_278 = arith.constant 0 : i32
          %dma_start3A_279 = arith.constant 0 : i32
          %dma_start3A_280 = tpu.memref_slice %run_scoped3A_8[%rem3A_265, %dma_start3A_278, %dma_start3A_279] : memref<2x128x256xf32, #tpu.memory_space<vmem>> -> memref<1x128x256xf32, #tpu.memory_space<vmem>>
          %dma_start3A_281 = tpu.memref_squeeze %dma_start3A_280 : memref<1x128x256xf32, #tpu.memory_space<vmem>> -> memref<128x256xf32, #tpu.memory_space<vmem>>
          tpu.enqueue_dma source(%dma_start3A_281 : memref<128x256xf32, #tpu.memory_space<vmem>>) target(%dma_start3A_277 : memref<128x256xf32, #tpu.memory_space<hbm>>) target_semaphore(%dma_start3A_275 : memref<!tpu.dma_semaphore, #tpu.memory_space<semaphore_mem>>)
          "tpu.trace_stop"() : () -> ()
        } else {
        }
        %and3A_217 = arith.constant true
        %and3A_218 = arith.andi %or3A_213, %and3A_217 : i1
        %add3A_219 = arith.constant 1 : i32
        %add3A_220 = arith.addi %scan3A_124, %add3A_219 : i32
        %select_n3A_221 = arith.select %and3A_218, %add3A_220, %scan3A_124 : i32
        %ne3A_222 = arith.cmpi ne, %add3A_131, %add3A_140 : i32
        %or3A_223 = arith.constant false
        %or3A_224 = arith.ori %or3A_223, %ne3A_222 : i1
        %not3A_225 = arith.constant true
        %not3A_226 = arith.xori %eq3A_128, %not3A_225 : i1
        %and3A_227 = arith.andi %or3A_224, %not3A_226 : i1
        %convert_element_type3A_228 = arith.extui %and3A_227 : i1 to i32
        %cond3A_229 = arith.constant 0 : i32
        %cond3A_230 = arith.cmpi ne, %convert_element_type3A_228, %cond3A_229 : i32
        scf.if %cond3A_230 {
        } else {
        }
        %and3A_231 = arith.constant false
        %and3A_232 = arith.andi %and3A_227, %and3A_231 : i1
        %ne3A_233 = arith.cmpi ne, %add3A_131, %add3A_140 : i32
        %or3A_234 = arith.constant false
        %or3A_235 = arith.ori %or3A_234, %ne3A_233 : i1
        %or3A_236 = arith.constant false
        %or3A_237 = arith.ori %or3A_235, %or3A_236 : i1
        %not3A_238 = arith.constant true
        %not3A_239 = arith.xori %eq3A_128, %not3A_238 : i1
        %and3A_240 = arith.andi %or3A_237, %not3A_239 : i1
        %convert_element_type3A_241 = arith.extui %and3A_240 : i1 to i32
        %cond3A_242 = arith.constant 0 : i32
        %cond3A_243 = arith.cmpi ne, %convert_element_type3A_241, %cond3A_242 : i32
        scf.if %cond3A_243 {
          "tpu.trace_start"() <{level = 10 : i32, message = "ep_wait_out"}> : () -> ()
          %rem3A_264 = arith.constant 2 : i32
          %rem3A_265 = arith.remui %scan3A_125, %rem3A_264 : i32
          %mul3A_266 = arith.constant 128 : i32
          %mul3A_267 = arith.muli %mul3A_266, %add3A_140 : i32
          %dma_wait3A_268 = arith.constant 0 : i32
          %dma_wait3A_269 = arith.constant 0 : i32
          %dma_wait3A_270 = tpu.memref_slice %run_scoped3A_8[%rem3A_265, %dma_wait3A_268, %dma_wait3A_269] : memref<2x128x256xf32, #tpu.memory_space<vmem>> -> memref<1x128x256xf32, #tpu.memory_space<vmem>>
          %dma_wait3A_271 = tpu.memref_squeeze %dma_wait3A_270 : memref<1x128x256xf32, #tpu.memory_space<vmem>> -> memref<128x256xf32, #tpu.memory_space<vmem>>
          %dma_wait3A_272 = arith.constant 0 : i32
          %dma_wait3A_273 = tpu.memref_slice %arg4[%mul3A_267, %dma_wait3A_272] : memref<131072x256xf32, #tpu.memory_space<hbm>> -> memref<128x256xf32, #tpu.memory_space<hbm>>
          %dma_wait3A_274 = tpu.memref_slice %run_scoped3A_9[%rem3A_265] : memref<2x!tpu.dma_semaphore, #tpu.memory_space<semaphore_mem>> -> memref<1x!tpu.dma_semaphore, #tpu.memory_space<semaphore_mem>>
          %dma_wait3A_275 = tpu.memref_squeeze %dma_wait3A_274 : memref<1x!tpu.dma_semaphore, #tpu.memory_space<semaphore_mem>> -> memref<!tpu.dma_semaphore, #tpu.memory_space<semaphore_mem>>
          %dma_wait3A_276 = arith.constant 0 : i32
          %dma_wait3A_277 = tpu.memref_slice %arg4[%mul3A_267, %dma_wait3A_276] : memref<131072x256xf32, #tpu.memory_space<hbm>> -> memref<128x256xf32, #tpu.memory_space<hbm>>
          %dma_wait3A_278 = arith.constant 0 : i32
          %dma_wait3A_279 = arith.constant 0 : i32
          %dma_wait3A_280 = tpu.memref_slice %run_scoped3A_8[%rem3A_265, %dma_wait3A_278, %dma_wait3A_279] : memref<2x128x256xf32, #tpu.memory_space<vmem>> -> memref<1x128x256xf32, #tpu.memory_space<vmem>>
          %dma_wait3A_281 = tpu.memref_squeeze %dma_wait3A_280 : memref<1x128x256xf32, #tpu.memory_space<vmem>> -> memref<128x256xf32, #tpu.memory_space<vmem>>
          tpu.wait_dma2 semaphore(%dma_wait3A_275 : memref<!tpu.dma_semaphore, #tpu.memory_space<semaphore_mem>>) src(%dma_wait3A_281 : memref<128x256xf32, #tpu.memory_space<vmem>>) dst(%dma_wait3A_277 : memref<128x256xf32, #tpu.memory_space<hbm>>)
          "tpu.trace_stop"() : () -> ()
        } else {
        }
        %and3A_244 = arith.constant true
        %and3A_245 = arith.andi %and3A_240, %and3A_244 : i1
        %add3A_246 = arith.constant 1 : i32
        %add3A_247 = arith.addi %scan3A_125, %add3A_246 : i32
        %select_n3A_248 = arith.select %and3A_245, %add3A_247, %scan3A_125 : i32
        %ne3A_249 = arith.cmpi ne, %add3A_131, %add3A_149 : i32
        %or3A_250 = arith.constant false
        %or3A_251 = arith.ori %or3A_250, %ne3A_249 : i1
        %or3A_252 = arith.ori %or3A_251, %eq3A_130 : i1
        %add3A_253 = arith.constant 1 : i32
        %add3A_254 = arith.addi %scan3A_123, %add3A_253 : i32
        %select_n3A_255 = arith.select %or3A_252, %add3A_254, %scan3A_123 : i32
        %add3A_256 = arith.constant 1 : i32
        %add3A_257 = arith.addi %scan3A_126, %add3A_256 : i32
        %select_n3A_258 = arith.constant true
        %select_n3A_259 = arith.select %select_n3A_258, %add3A_257, %scan3A_126 : i32
        %eq3A_260 = arith.constant 32 : i32
        %eq3A_261 = arith.cmpi eq, %select_n3A_259, %eq3A_260 : i32
        %select_n3A_262 = arith.constant 0 : i32
        %select_n3A_263 = arith.select %eq3A_261, %select_n3A_262, %select_n3A_259 : i32
        scf.yield %select_n3A_167, %select_n3A_255, %select_n3A_221, %select_n3A_248, %select_n3A_263 : i32, i32, i32, i32, i32
      }
      %scan3A_68 = arith.constant 32 : i32
      %sub3A = arith.constant 1 : i32
      %sub3A_69 = arith.subi %scan3A_67#4, %sub3A : i32
      %select_n3A_70 = arith.constant true
      %select_n3A_71 = arith.select %select_n3A_70, %sub3A_69, %scan3A_67#4 : i32
      %eq3A_72 = arith.constant -1 : i32
      %eq3A_73 = arith.cmpi eq, %select_n3A_71, %eq3A_72 : i32
      %select_n3A_74 = arith.constant 31 : i32
      %select_n3A_75 = arith.select %eq3A_73, %select_n3A_74, %select_n3A_71 : i32
      %add3A_76 = arith.addi %select_n3A_75, %mul3A_6 : i32
      %sub3A_77 = arith.constant 1 : i32
      %sub3A_78 = arith.subi %select_n3A_75, %sub3A_77 : i32
      %select_n3A_79 = arith.constant true
      %select_n3A_80 = arith.select %select_n3A_79, %sub3A_78, %select_n3A_75 : i32
      %eq3A_81 = arith.constant -1 : i32
      %eq3A_82 = arith.cmpi eq, %select_n3A_80, %eq3A_81 : i32
      %select_n3A_83 = arith.constant 31 : i32
      %select_n3A_84 = arith.select %eq3A_82, %select_n3A_83, %select_n3A_80 : i32
      %add3A_85 = arith.addi %select_n3A_84, %mul3A_6 : i32
      %add3A_86 = arith.constant 1 : i32
      %add3A_87 = arith.addi %select_n3A_75, %add3A_86 : i32
      %select_n3A_88 = arith.constant true
      %select_n3A_89 = arith.select %select_n3A_88, %add3A_87, %select_n3A_75 : i32
      %eq3A_90 = arith.constant 32 : i32
      %eq3A_91 = arith.cmpi eq, %select_n3A_89, %eq3A_90 : i32
      %select_n3A_92 = arith.constant 0 : i32
      %select_n3A_93 = arith.select %eq3A_91, %select_n3A_92, %select_n3A_89 : i32
      %add3A_94 = arith.addi %select_n3A_93, %mul3A_6 : i32
      %add3A_95 = arith.constant 1 : i32
      %add3A_96 = arith.addi %select_n3A_93, %add3A_95 : i32
      %select_n3A_97 = arith.constant true
      %select_n3A_98 = arith.select %select_n3A_97, %add3A_96, %select_n3A_93 : i32
      %eq3A_99 = arith.constant 32 : i32
      %eq3A_100 = arith.cmpi eq, %select_n3A_98, %eq3A_99 : i32
      %select_n3A_101 = arith.constant 0 : i32
      %select_n3A_102 = arith.select %eq3A_100, %select_n3A_101, %select_n3A_98 : i32
      %add3A_103 = arith.addi %select_n3A_102, %mul3A_6 : i32
      "tpu.trace_start"() <{level = 10 : i32, message = "ep_finalize"}> : () -> ()
      %rem3A_104 = arith.constant 2 : i32
      %rem3A_105 = arith.remui %scan3A_67#3, %rem3A_104 : i32
      %mul3A_106 = arith.constant 128 : i32
      %mul3A_107 = arith.muli %mul3A_106, %add3A_76 : i32
      %dma_wait3A = arith.constant 0 : i32
      %dma_wait3A_108 = arith.constant 0 : i32
      %dma_wait3A_109 = tpu.memref_slice %run_scoped3A_8[%rem3A_105, %dma_wait3A, %dma_wait3A_108] : memref<2x128x256xf32, #tpu.memory_space<vmem>> -> memref<1x128x256xf32, #tpu.memory_space<vmem>>
      %dma_wait3A_110 = tpu.memref_squeeze %dma_wait3A_109 : memref<1x128x256xf32, #tpu.memory_space<vmem>> -> memref<128x256xf32, #tpu.memory_space<vmem>>
      %dma_wait3A_111 = arith.constant 0 : i32
      %dma_wait3A_112 = tpu.memref_slice %arg4[%mul3A_107, %dma_wait3A_111] : memref<131072x256xf32, #tpu.memory_space<hbm>> -> memref<128x256xf32, #tpu.memory_space<hbm>>
      %dma_wait3A_113 = tpu.memref_slice %run_scoped3A_9[%rem3A_105] : memref<2x!tpu.dma_semaphore, #tpu.memory_space<semaphore_mem>> -> memref<1x!tpu.dma_semaphore, #tpu.memory_space<semaphore_mem>>
      %dma_wait3A_114 = tpu.memref_squeeze %dma_wait3A_113 : memref<1x!tpu.dma_semaphore, #tpu.memory_space<semaphore_mem>> -> memref<!tpu.dma_semaphore, #tpu.memory_space<semaphore_mem>>
      %dma_wait3A_115 = arith.constant 0 : i32
      %dma_wait3A_116 = tpu.memref_slice %arg4[%mul3A_107, %dma_wait3A_115] : memref<131072x256xf32, #tpu.memory_space<hbm>> -> memref<128x256xf32, #tpu.memory_space<hbm>>
      %dma_wait3A_117 = arith.constant 0 : i32
      %dma_wait3A_118 = arith.constant 0 : i32
      %dma_wait3A_119 = tpu.memref_slice %run_scoped3A_8[%rem3A_105, %dma_wait3A_117, %dma_wait3A_118] : memref<2x128x256xf32, #tpu.memory_space<vmem>> -> memref<1x128x256xf32, #tpu.memory_space<vmem>>
      %dma_wait3A_120 = tpu.memref_squeeze %dma_wait3A_119 : memref<1x128x256xf32, #tpu.memory_space<vmem>> -> memref<128x256xf32, #tpu.memory_space<vmem>>
      tpu.wait_dma2 semaphore(%dma_wait3A_114 : memref<!tpu.dma_semaphore, #tpu.memory_space<semaphore_mem>>) src(%dma_wait3A_120 : memref<128x256xf32, #tpu.memory_space<vmem>>) dst(%dma_wait3A_116 : memref<128x256xf32, #tpu.memory_space<hbm>>)
      "tpu.trace_stop"() : () -> ()
      tpu.yield
    }) : () -> ()
    return
  }
}

module attributes {stable_mosaic.version = 14 : i64} {
  func.func @_stage1a(%arg0: i32, %arg1: i32, %arg2: memref<1x1024x3xf32, #tpu.memory_space<vmem>>, %arg3: memref<1x3x1024xf32, #tpu.memory_space<vmem>>, %arg4: memref<1x1024x4xi32, #tpu.memory_space<vmem>>, %arg5: memref<1x1024x4xf32, #tpu.memory_space<vmem>>) attributes {dimension_semantics = [#tpu.dimension_semantics<arbitrary>, #tpu.dimension_semantics<arbitrary>], iteration_bounds = array<i64: 8, 4>, scalar_prefetch = 0 : i64, scratch_operands = 0 : i64, tpu.core_type = #tpu.core_type<tc>, window_params = [{transform_indices = @transform_0, window_bounds = array<i64: 1, 1024, 3>}, {transform_indices = @transform_1, window_bounds = array<i64: 1, 3, 1024>}, {transform_indices = @transform_2, window_bounds = array<i64: 1, 1024, 4>}, {transform_indices = @transform_3, window_bounds = array<i64: 1, 1024, 4>}]} {
    %get3A = arith.constant 0 : index
    %get3A_0 = arith.constant 0 : index
    %get3A_1 = arith.constant 0 : index
    %get3A_2 = vector.load %arg2[%get3A, %get3A_0, %get3A_1] : memref<1x1024x3xf32, #tpu.memory_space<vmem>>, vector<1x1024x3xf32>
    %get3A_3 = vector.shape_cast %get3A_2 : vector<1x1024x3xf32> to vector<1024x3xf32>
    %get3A_4 = arith.constant 0 : index
    %get3A_5 = arith.constant 0 : index
    %get3A_6 = arith.constant 0 : index
    %get3A_7 = vector.load %arg3[%get3A_4, %get3A_5, %get3A_6] : memref<1x3x1024xf32, #tpu.memory_space<vmem>>, vector<1x3x1024xf32>
    %get3A_8 = vector.shape_cast %get3A_7 : vector<1x3x1024xf32> to vector<3x1024xf32>
    %dot_general3A = arith.constant dense<0.000000e+00> : vector<1024x1024xf32>
    %dot_general3A_9 = tpu.matmul %get3A_3, %get3A_8, %dot_general3A {dimension_numbers = #tpu.dot_dimension_numbers<[1], [0], [0], [1], [0, 0, 1, 1], [], []>, transpose_lhs_hint = false} : vector<1024x3xf32>, vector<3x1024xf32>, vector<1024x1024xf32> -> vector<1024x1024xf32>
    %mul3A = arith.mulf %get3A_3, %get3A_3 : vector<1024x3xf32>
    %reduce_sum3A = arith.constant dense<0.000000e+00> : vector<1024xf32>
    %reduce_sum3A_10 = vector.multi_reduction <add>, %mul3A, %reduce_sum3A [1] : vector<1024x3xf32> to vector<1024xf32>
    %broadcast_in_dim3A = vector.shape_cast %reduce_sum3A_10 : vector<1024xf32> to vector<1024x1xf32>
    %mul3A_11 = arith.mulf %get3A_8, %get3A_8 : vector<3x1024xf32>
    %reduce_sum3A_12 = arith.constant dense<0.000000e+00> : vector<1024xf32>
    %reduce_sum3A_13 = vector.multi_reduction <add>, %mul3A_11, %reduce_sum3A_12 [0] : vector<3x1024xf32> to vector<1024xf32>
    %broadcast_in_dim3A_14 = vector.shape_cast %reduce_sum3A_13 : vector<1024xf32> to vector<1x1024xf32>
    %add3A = vector.broadcast %broadcast_in_dim3A : vector<1024x1xf32> to vector<1024x1024xf32>
    %add3A_15 = vector.broadcast %broadcast_in_dim3A_14 : vector<1x1024xf32> to vector<1024x1024xf32>
    %add3A_16 = arith.addf %add3A, %add3A_15 : vector<1024x1024xf32>
    %mul3A_17 = arith.constant 2.000000e+00 : f32
    %mul3A_18 = vector.broadcast %mul3A_17 : f32 to vector<1024x1024xf32>
    %mul3A_19 = arith.mulf %mul3A_18, %dot_general3A_9 : vector<1024x1024xf32>
    %sub3A = arith.subf %add3A_16, %mul3A_19 : vector<1024x1024xf32>
    %iota3A = tpu.iota {dimensions = array<i32: 1>} : vector<1024x1024xi32>
    %convert_element_type3A = arith.sitofp %iota3A : vector<1024x1024xi32> to vector<1024x1024xf32>
    %broadcast_in_dim3A_20 = arith.constant 0.000000e+00 : f32
    %broadcast_in_dim3A_21 = vector.broadcast %broadcast_in_dim3A_20 : f32 to vector<1024x1xf32>
    %reduce_min3A = arith.constant dense<0x7F800000> : vector<1024xf32>
    %reduce_min3A_22 = vector.multi_reduction <minimumf>, %sub3A, %reduce_min3A [1] : vector<1024x1024xf32> to vector<1024xf32>
    %broadcast_in_dim3A_23 = vector.shape_cast %reduce_min3A_22 : vector<1024xf32> to vector<1024x1xf32>
    %eq3A = vector.broadcast %broadcast_in_dim3A_23 : vector<1024x1xf32> to vector<1024x1024xf32>
    %eq3A_24 = arith.cmpf oeq, %sub3A, %eq3A : vector<1024x1024xf32>
    %jit3A = arith.constant 1.024000e+03 : f32
    %broadcast_in_dim3A_25 = vector.broadcast %jit3A : f32 to vector<1024x1024xf32>
    %select_n3A = arith.select %eq3A_24, %convert_element_type3A, %broadcast_in_dim3A_25 : vector<1024x1024xi1>, vector<1024x1024xf32>
    %reduce_min3A_26 = arith.constant dense<0x7F800000> : vector<1024xf32>
    %reduce_min3A_27 = vector.multi_reduction <minimumf>, %select_n3A, %reduce_min3A_26 [1] : vector<1024x1024xf32> to vector<1024xf32>
    %broadcast_in_dim3A_28 = vector.shape_cast %reduce_min3A_27 : vector<1024xf32> to vector<1024x1xf32>
    %eq3A_29 = vector.broadcast %broadcast_in_dim3A_28 : vector<1024x1xf32> to vector<1024x1024xf32>
    %eq3A_30 = arith.cmpf oeq, %convert_element_type3A, %eq3A_29 : vector<1024x1024xf32>
    %add3A_31 = arith.constant 9.99999993E-9 : f32
    %add3A_32 = vector.broadcast %add3A_31 : f32 to vector<1024x1xf32>
    %add3A_33 = arith.addf %broadcast_in_dim3A_23, %add3A_32 : vector<1024x1xf32>
    %div3A = arith.constant 1.000000e+00 : f32
    %div3A_34 = vector.broadcast %div3A : f32 to vector<1024x1xf32>
    %div3A_35 = arith.divf %div3A_34, %add3A_33 : vector<1024x1xf32>
    %add3A_36 = arith.addf %broadcast_in_dim3A_21, %div3A_35 : vector<1024x1xf32>
    %jit3A_37 = arith.constant 0x7F800000 : f32
    %broadcast_in_dim3A_38 = vector.broadcast %jit3A_37 : f32 to vector<1024x1024xf32>
    %select_n3A_39 = arith.select %eq3A_30, %broadcast_in_dim3A_38, %sub3A : vector<1024x1024xi1>, vector<1024x1024xf32>
    %reduce_min3A_40 = arith.constant dense<0x7F800000> : vector<1024xf32>
    %reduce_min3A_41 = vector.multi_reduction <minimumf>, %select_n3A_39, %reduce_min3A_40 [1] : vector<1024x1024xf32> to vector<1024xf32>
    %broadcast_in_dim3A_42 = vector.shape_cast %reduce_min3A_41 : vector<1024xf32> to vector<1024x1xf32>
    %eq3A_43 = vector.broadcast %broadcast_in_dim3A_42 : vector<1024x1xf32> to vector<1024x1024xf32>
    %eq3A_44 = arith.cmpf oeq, %select_n3A_39, %eq3A_43 : vector<1024x1024xf32>
    %jit3A_45 = arith.constant 1.024000e+03 : f32
    %broadcast_in_dim3A_46 = vector.broadcast %jit3A_45 : f32 to vector<1024x1024xf32>
    %select_n3A_47 = arith.select %eq3A_44, %convert_element_type3A, %broadcast_in_dim3A_46 : vector<1024x1024xi1>, vector<1024x1024xf32>
    %reduce_min3A_48 = arith.constant dense<0x7F800000> : vector<1024xf32>
    %reduce_min3A_49 = vector.multi_reduction <minimumf>, %select_n3A_47, %reduce_min3A_48 [1] : vector<1024x1024xf32> to vector<1024xf32>
    %broadcast_in_dim3A_50 = vector.shape_cast %reduce_min3A_49 : vector<1024xf32> to vector<1024x1xf32>
    %eq3A_51 = vector.broadcast %broadcast_in_dim3A_50 : vector<1024x1xf32> to vector<1024x1024xf32>
    %eq3A_52 = arith.cmpf oeq, %convert_element_type3A, %eq3A_51 : vector<1024x1024xf32>
    %add3A_53 = arith.constant 9.99999993E-9 : f32
    %add3A_54 = vector.broadcast %add3A_53 : f32 to vector<1024x1xf32>
    %add3A_55 = arith.addf %broadcast_in_dim3A_42, %add3A_54 : vector<1024x1xf32>
    %div3A_56 = arith.constant 1.000000e+00 : f32
    %div3A_57 = vector.broadcast %div3A_56 : f32 to vector<1024x1xf32>
    %div3A_58 = arith.divf %div3A_57, %add3A_55 : vector<1024x1xf32>
    %add3A_59 = arith.addf %add3A_36, %div3A_58 : vector<1024x1xf32>
    %jit3A_60 = arith.constant 0x7F800000 : f32
    %broadcast_in_dim3A_61 = vector.broadcast %jit3A_60 : f32 to vector<1024x1024xf32>
    %select_n3A_62 = arith.select %eq3A_52, %broadcast_in_dim3A_61, %select_n3A_39 : vector<1024x1024xi1>, vector<1024x1024xf32>
    %reduce_min3A_63 = arith.constant dense<0x7F800000> : vector<1024xf32>
    %reduce_min3A_64 = vector.multi_reduction <minimumf>, %select_n3A_62, %reduce_min3A_63 [1] : vector<1024x1024xf32> to vector<1024xf32>
    %broadcast_in_dim3A_65 = vector.shape_cast %reduce_min3A_64 : vector<1024xf32> to vector<1024x1xf32>
    %eq3A_66 = vector.broadcast %broadcast_in_dim3A_65 : vector<1024x1xf32> to vector<1024x1024xf32>
    %eq3A_67 = arith.cmpf oeq, %select_n3A_62, %eq3A_66 : vector<1024x1024xf32>
    %jit3A_68 = arith.constant 1.024000e+03 : f32
    %broadcast_in_dim3A_69 = vector.broadcast %jit3A_68 : f32 to vector<1024x1024xf32>
    %select_n3A_70 = arith.select %eq3A_67, %convert_element_type3A, %broadcast_in_dim3A_69 : vector<1024x1024xi1>, vector<1024x1024xf32>
    %reduce_min3A_71 = arith.constant dense<0x7F800000> : vector<1024xf32>
    %reduce_min3A_72 = vector.multi_reduction <minimumf>, %select_n3A_70, %reduce_min3A_71 [1] : vector<1024x1024xf32> to vector<1024xf32>
    %broadcast_in_dim3A_73 = vector.shape_cast %reduce_min3A_72 : vector<1024xf32> to vector<1024x1xf32>
    %eq3A_74 = vector.broadcast %broadcast_in_dim3A_73 : vector<1024x1xf32> to vector<1024x1024xf32>
    %eq3A_75 = arith.cmpf oeq, %convert_element_type3A, %eq3A_74 : vector<1024x1024xf32>
    %add3A_76 = arith.constant 9.99999993E-9 : f32
    %add3A_77 = vector.broadcast %add3A_76 : f32 to vector<1024x1xf32>
    %add3A_78 = arith.addf %broadcast_in_dim3A_65, %add3A_77 : vector<1024x1xf32>
    %div3A_79 = arith.constant 1.000000e+00 : f32
    %div3A_80 = vector.broadcast %div3A_79 : f32 to vector<1024x1xf32>
    %div3A_81 = arith.divf %div3A_80, %add3A_78 : vector<1024x1xf32>
    %add3A_82 = arith.addf %add3A_59, %div3A_81 : vector<1024x1xf32>
    %jit3A_83 = arith.constant 0x7F800000 : f32
    %broadcast_in_dim3A_84 = vector.broadcast %jit3A_83 : f32 to vector<1024x1024xf32>
    %select_n3A_85 = arith.select %eq3A_75, %broadcast_in_dim3A_84, %select_n3A_62 : vector<1024x1024xi1>, vector<1024x1024xf32>
    %reduce_min3A_86 = arith.constant dense<0x7F800000> : vector<1024xf32>
    %reduce_min3A_87 = vector.multi_reduction <minimumf>, %select_n3A_85, %reduce_min3A_86 [1] : vector<1024x1024xf32> to vector<1024xf32>
    %broadcast_in_dim3A_88 = vector.shape_cast %reduce_min3A_87 : vector<1024xf32> to vector<1024x1xf32>
    %eq3A_89 = vector.broadcast %broadcast_in_dim3A_88 : vector<1024x1xf32> to vector<1024x1024xf32>
    %eq3A_90 = arith.cmpf oeq, %select_n3A_85, %eq3A_89 : vector<1024x1024xf32>
    %jit3A_91 = arith.constant 1.024000e+03 : f32
    %broadcast_in_dim3A_92 = vector.broadcast %jit3A_91 : f32 to vector<1024x1024xf32>
    %select_n3A_93 = arith.select %eq3A_90, %convert_element_type3A, %broadcast_in_dim3A_92 : vector<1024x1024xi1>, vector<1024x1024xf32>
    %reduce_min3A_94 = arith.constant dense<0x7F800000> : vector<1024xf32>
    %reduce_min3A_95 = vector.multi_reduction <minimumf>, %select_n3A_93, %reduce_min3A_94 [1] : vector<1024x1024xf32> to vector<1024xf32>
    %broadcast_in_dim3A_96 = vector.shape_cast %reduce_min3A_95 : vector<1024xf32> to vector<1024x1xf32>
    %add3A_97 = arith.constant 9.99999993E-9 : f32
    %add3A_98 = vector.broadcast %add3A_97 : f32 to vector<1024x1xf32>
    %add3A_99 = arith.addf %broadcast_in_dim3A_88, %add3A_98 : vector<1024x1xf32>
    %div3A_100 = arith.constant 1.000000e+00 : f32
    %div3A_101 = vector.broadcast %div3A_100 : f32 to vector<1024x1xf32>
    %div3A_102 = arith.divf %div3A_101, %add3A_99 : vector<1024x1xf32>
    %add3A_103 = arith.addf %add3A_82, %div3A_102 : vector<1024x1xf32>
    %div3A_104 = arith.constant 1.000000e+00 : f32
    %div3A_105 = vector.broadcast %div3A_104 : f32 to vector<1024x1xf32>
    %div3A_106 = arith.divf %div3A_105, %add3A_103 : vector<1024x1xf32>
    %mul3A_107 = arith.constant 1024 : i32
    %mul3A_108 = arith.muli %arg0, %mul3A_107 : i32
    %convert_element_type3A_109 = arith.fptosi %broadcast_in_dim3A_28 : vector<1024x1xf32> to vector<1024x1xi32>
    %add3A_110 = vector.broadcast %mul3A_108 : i32 to vector<1024x1xi32>
    %add3A_111 = arith.addi %convert_element_type3A_109, %add3A_110 : vector<1024x1xi32>
    %convert_element_type3A_112 = arith.fptosi %broadcast_in_dim3A_50 : vector<1024x1xf32> to vector<1024x1xi32>
    %add3A_113 = vector.broadcast %mul3A_108 : i32 to vector<1024x1xi32>
    %add3A_114 = arith.addi %convert_element_type3A_112, %add3A_113 : vector<1024x1xi32>
    %convert_element_type3A_115 = arith.fptosi %broadcast_in_dim3A_73 : vector<1024x1xf32> to vector<1024x1xi32>
    %add3A_116 = vector.broadcast %mul3A_108 : i32 to vector<1024x1xi32>
    %add3A_117 = arith.addi %convert_element_type3A_115, %add3A_116 : vector<1024x1xi32>
    %convert_element_type3A_118 = arith.fptosi %broadcast_in_dim3A_96 : vector<1024x1xf32> to vector<1024x1xi32>
    %add3A_119 = vector.broadcast %mul3A_108 : i32 to vector<1024x1xi32>
    %add3A_120 = arith.addi %convert_element_type3A_118, %add3A_119 : vector<1024x1xi32>
    %concatenate3A = tpu.concatenate %add3A_111, %add3A_114, %add3A_117, %add3A_120 in 1 : vector<1024x1xi32>, vector<1024x1xi32>, vector<1024x1xi32>, vector<1024x1xi32> -> vector<1024x4xi32>
    %swap3A = arith.constant 0 : index
    %swap3A_121 = arith.constant 0 : index
    %swap3A_122 = arith.constant 0 : index
    %swap3A_123 = vector.load %arg4[%swap3A, %swap3A_121, %swap3A_122] : memref<1x1024x4xi32, #tpu.memory_space<vmem>>, vector<1x1024x4xi32>
    %swap3A_124 = vector.shape_cast %swap3A_123 : vector<1x1024x4xi32> to vector<1024x4xi32>
    %swap3A_125 = vector.shape_cast %concatenate3A : vector<1024x4xi32> to vector<1x1024x4xi32>
    tpu.vector_store %arg4[%swap3A, %swap3A_121, %swap3A_122], %swap3A_125 {strides = array<i32>} : memref<1x1024x4xi32, #tpu.memory_space<vmem>>, vector<1x1024x4xi32>,
    %mul3A_126 = arith.mulf %div3A_35, %div3A_106 : vector<1024x1xf32>
    %mul3A_127 = arith.mulf %div3A_58, %div3A_106 : vector<1024x1xf32>
    %mul3A_128 = arith.mulf %div3A_81, %div3A_106 : vector<1024x1xf32>
    %mul3A_129 = arith.mulf %div3A_102, %div3A_106 : vector<1024x1xf32>
    %concatenate3A_130 = tpu.concatenate %mul3A_126, %mul3A_127, %mul3A_128, %mul3A_129 in 1 : vector<1024x1xf32>, vector<1024x1xf32>, vector<1024x1xf32>, vector<1024x1xf32> -> vector<1024x4xf32>
    %swap3A_131 = arith.constant 0 : index
    %swap3A_132 = arith.constant 0 : index
    %swap3A_133 = arith.constant 0 : index
    %swap3A_134 = vector.load %arg5[%swap3A_131, %swap3A_132, %swap3A_133] : memref<1x1024x4xf32, #tpu.memory_space<vmem>>, vector<1x1024x4xf32>
    %swap3A_135 = vector.shape_cast %swap3A_134 : vector<1x1024x4xf32> to vector<1024x4xf32>
    %swap3A_136 = vector.shape_cast %concatenate3A_130 : vector<1024x4xf32> to vector<1x1024x4xf32>
    tpu.vector_store %arg5[%swap3A_131, %swap3A_132, %swap3A_133], %swap3A_136 {strides = array<i32>} : memref<1x1024x4xf32, #tpu.memory_space<vmem>>, vector<1x1024x4xf32>,
    return
  }
  func.func @transform_0(%arg0: i32, %arg1: i32) -> (i32, i32, i32) {
    %c0_i32 = arith.constant 0 : i32
    %c0_i32_0 = arith.constant 0 : i32
    return %arg0, %arg1, %c0_i32 : i32, i32, i32
  }
  func.func @transform_1(%arg0: i32, %arg1: i32) -> (i32, i32, i32) {
    %c0_i32 = arith.constant 0 : i32
    %c0_i32_0 = arith.constant 0 : i32
    %c0_i32_1 = arith.constant 0 : i32
    return %arg0, %c0_i32, %c0_i32_0 : i32, i32, i32
  }
  func.func @transform_2(%arg0: i32, %arg1: i32) -> (i32, i32, i32) {
    %c0_i32 = arith.constant 0 : i32
    %c0_i32_0 = arith.constant 0 : i32
    return %arg0, %arg1, %c0_i32 : i32, i32, i32
  }
  func.func @transform_3(%arg0: i32, %arg1: i32) -> (i32, i32, i32) {
    %c0_i32 = arith.constant 0 : i32
    %c0_i32_0 = arith.constant 0 : i32
    return %arg0, %arg1, %c0_i32 : i32, i32, i32
  }
}

module attributes {stable_mosaic.version = 14 : i64} {
  func.func @_stage1b(%arg0: i32, %arg1: i32, %arg2: memref<1x1024x4x256xf32, #tpu.memory_space<vmem>>, %arg3: memref<1x1024x4xf32, #tpu.memory_space<vmem>>, %arg4: memref<1x1024x256xf32, #tpu.memory_space<vmem>>, %arg5: memref<512x512xbf16, #tpu.memory_space<vmem>>, %arg6: memref<512x512xbf16, #tpu.memory_space<vmem>>, %arg7: memref<512x1xf32, #tpu.memory_space<vmem>>, %arg8: memref<1x512x1024xf32, #tpu.memory_space<vmem>>, %arg9: memref<512x1xf32, #tpu.memory_space<vmem>>, %arg10: memref<512x1xf32, #tpu.memory_space<vmem>>) attributes {dimension_semantics = [#tpu.dimension_semantics<arbitrary>, #tpu.dimension_semantics<arbitrary>], iteration_bounds = array<i64: 8, 4>, scalar_prefetch = 0 : i64, scratch_operands = 0 : i64, tpu.core_type = #tpu.core_type<tc>, window_params = [{transform_indices = @transform_0, window_bounds = array<i64: 1, 1024, 4, 256>}, {transform_indices = @transform_1, window_bounds = array<i64: 1, 1024, 4>}, {transform_indices = @transform_2, window_bounds = array<i64: 1, 1024, 256>}, {pipeline_mode = #tpu.pipeline_mode<synchronous>, transform_indices = @transform_3, window_bounds = array<i64: 512, 512>}, {pipeline_mode = #tpu.pipeline_mode<synchronous>, transform_indices = @transform_4, window_bounds = array<i64: 512, 512>}, {pipeline_mode = #tpu.pipeline_mode<synchronous>, transform_indices = @transform_5, window_bounds = array<i64: 512, 1>}, {transform_indices = @transform_6, window_bounds = array<i64: 1, 512, 1024>}, {pipeline_mode = #tpu.pipeline_mode<synchronous>, transform_indices = @transform_7, window_bounds = array<i64: 512, 1>}, {pipeline_mode = #tpu.pipeline_mode<synchronous>, transform_indices = @transform_8, window_bounds = array<i64: 512, 1>}]} {
    %get3A = arith.constant 0 : index
    %get3A_0 = arith.constant 0 : index
    %get3A_1 = arith.constant 0 : index
    %get3A_2 = arith.constant 0 : index
    %get3A_3 = vector.load %arg2[%get3A, %get3A_0, %get3A_1, %get3A_2] : memref<1x1024x4x256xf32, #tpu.memory_space<vmem>>, vector<1x1024x4x256xf32>
    %get3A_4 = vector.shape_cast %get3A_3 : vector<1x1024x4x256xf32> to vector<1024x4x256xf32>
    %get3A_5 = arith.constant 0 : index
    %get3A_6 = arith.constant 0 : index
    %get3A_7 = arith.constant 0 : index
    %get3A_8 = vector.load %arg3[%get3A_5, %get3A_6, %get3A_7] : memref<1x1024x4xf32, #tpu.memory_space<vmem>>, vector<1x1024x4xf32>
    %get3A_9 = vector.shape_cast %get3A_8 : vector<1x1024x4xf32> to vector<1024x4xf32>
    %slice3A = vector.extract_strided_slice %get3A_4 {offsets = [0, 0, 0], sizes = [1024, 1, 256], strides = [1, 1, 1]} : vector<1024x4x256xf32> to vector<1024x1x256xf32>
    %squeeze3A = vector.shape_cast %slice3A : vector<1024x1x256xf32> to vector<1024x256xf32>
    %slice3A_10 = vector.extract_strided_slice %get3A_9 {offsets = [0, 0], sizes = [1024, 1], strides = [1, 1]} : vector<1024x4xf32> to vector<1024x1xf32>
    %mul3A = vector.broadcast %slice3A_10 : vector<1024x1xf32> to vector<1024x256xf32>
    %mul3A_11 = arith.mulf %squeeze3A, %mul3A : vector<1024x256xf32>
    %slice3A_12 = vector.extract_strided_slice %get3A_4 {offsets = [0, 1, 0], sizes = [1024, 1, 256], strides = [1, 1, 1]} : vector<1024x4x256xf32> to vector<1024x1x256xf32>
    %squeeze3A_13 = vector.shape_cast %slice3A_12 : vector<1024x1x256xf32> to vector<1024x256xf32>
    %slice3A_14 = vector.extract_strided_slice %get3A_9 {offsets = [0, 1], sizes = [1024, 1], strides = [1, 1]} : vector<1024x4xf32> to vector<1024x1xf32>
    %mul3A_15 = vector.broadcast %slice3A_14 : vector<1024x1xf32> to vector<1024x256xf32>
    %mul3A_16 = arith.mulf %squeeze3A_13, %mul3A_15 : vector<1024x256xf32>
    %add3A = arith.addf %mul3A_11, %mul3A_16 : vector<1024x256xf32>
    %slice3A_17 = vector.extract_strided_slice %get3A_4 {offsets = [0, 2, 0], sizes = [1024, 1, 256], strides = [1, 1, 1]} : vector<1024x4x256xf32> to vector<1024x1x256xf32>
    %squeeze3A_18 = vector.shape_cast %slice3A_17 : vector<1024x1x256xf32> to vector<1024x256xf32>
    %slice3A_19 = vector.extract_strided_slice %get3A_9 {offsets = [0, 2], sizes = [1024, 1], strides = [1, 1]} : vector<1024x4xf32> to vector<1024x1xf32>
    %mul3A_20 = vector.broadcast %slice3A_19 : vector<1024x1xf32> to vector<1024x256xf32>
    %mul3A_21 = arith.mulf %squeeze3A_18, %mul3A_20 : vector<1024x256xf32>
    %add3A_22 = arith.addf %add3A, %mul3A_21 : vector<1024x256xf32>
    %slice3A_23 = vector.extract_strided_slice %get3A_4 {offsets = [0, 3, 0], sizes = [1024, 1, 256], strides = [1, 1, 1]} : vector<1024x4x256xf32> to vector<1024x1x256xf32>
    %squeeze3A_24 = vector.shape_cast %slice3A_23 : vector<1024x1x256xf32> to vector<1024x256xf32>
    %slice3A_25 = vector.extract_strided_slice %get3A_9 {offsets = [0, 3], sizes = [1024, 1], strides = [1, 1]} : vector<1024x4xf32> to vector<1024x1xf32>
    %mul3A_26 = vector.broadcast %slice3A_25 : vector<1024x1xf32> to vector<1024x256xf32>
    %mul3A_27 = arith.mulf %squeeze3A_24, %mul3A_26 : vector<1024x256xf32>
    %add3A_28 = arith.addf %add3A_22, %mul3A_27 : vector<1024x256xf32>
    %get3A_29 = arith.constant 0 : index
    %get3A_30 = arith.constant 0 : index
    %get3A_31 = arith.constant 0 : index
    %get3A_32 = vector.load %arg4[%get3A_29, %get3A_30, %get3A_31] : memref<1x1024x256xf32, #tpu.memory_space<vmem>>, vector<1x1024x256xf32>
    %get3A_33 = vector.shape_cast %get3A_32 : vector<1x1024x256xf32> to vector<1024x256xf32>
    %convert_element_type3A = arith.truncf %get3A_33 : vector<1024x256xf32> to vector<1024x256xbf16>
    %convert_element_type3A_34 = arith.extf %convert_element_type3A : vector<1024x256xbf16> to vector<1024x256xf32>
    %sub3A = arith.subf %get3A_33, %convert_element_type3A_34 : vector<1024x256xf32>
    %convert_element_type3A_35 = arith.truncf %sub3A : vector<1024x256xf32> to vector<1024x256xbf16>
    %convert_element_type3A_36 = arith.truncf %add3A_28 : vector<1024x256xf32> to vector<1024x256xbf16>
    %convert_element_type3A_37 = arith.extf %convert_element_type3A_36 : vector<1024x256xbf16> to vector<1024x256xf32>
    %sub3A_38 = arith.subf %add3A_28, %convert_element_type3A_37 : vector<1024x256xf32>
    %convert_element_type3A_39 = arith.truncf %sub3A_38 : vector<1024x256xf32> to vector<1024x256xbf16>
    %get3A_40 = arith.constant 0 : index
    %get3A_41 = arith.constant 0 : index
    %get3A_42 = vector.load %arg5[%get3A_40, %get3A_41] : memref<512x512xbf16, #tpu.memory_space<vmem>>, vector<512x256xbf16>
    %get3A_43 = arith.constant 0 : index
    %get3A_44 = arith.constant 0 : index
    %get3A_45 = vector.load %arg6[%get3A_43, %get3A_44] : memref<512x512xbf16, #tpu.memory_space<vmem>>, vector<512x256xbf16>
    %dot_general3A = arith.constant dense<0.000000e+00> : vector<512x1024xf32>
    %dot_general3A_46 = tpu.matmul %get3A_42, %convert_element_type3A, %dot_general3A {dimension_numbers = #tpu.dot_dimension_numbers<[1], [1], [0], [0], [0, 0, 1, 0], [], []>, transpose_lhs_hint = false} : vector<512x256xbf16>, vector<1024x256xbf16>, vector<512x1024xf32> -> vector<512x1024xf32>
    %dot_general3A_47 = arith.constant dense<0.000000e+00> : vector<512x1024xf32>
    %dot_general3A_48 = tpu.matmul %get3A_42, %convert_element_type3A_35, %dot_general3A_47 {dimension_numbers = #tpu.dot_dimension_numbers<[1], [1], [0], [0], [0, 0, 1, 0], [], []>, transpose_lhs_hint = false} : vector<512x256xbf16>, vector<1024x256xbf16>, vector<512x1024xf32> -> vector<512x1024xf32>
    %dot_general3A_49 = arith.constant dense<0.000000e+00> : vector<512x1024xf32>
    %dot_general3A_50 = tpu.matmul %get3A_45, %convert_element_type3A, %dot_general3A_49 {dimension_numbers = #tpu.dot_dimension_numbers<[1], [1], [0], [0], [0, 0, 1, 0], [], []>, transpose_lhs_hint = false} : vector<512x256xbf16>, vector<1024x256xbf16>, vector<512x1024xf32> -> vector<512x1024xf32>
    %add3A_51 = arith.addf %dot_general3A_48, %dot_general3A_50 : vector<512x1024xf32>
    %add3A_52 = arith.addf %dot_general3A_46, %add3A_51 : vector<512x1024xf32>
    %get3A_53 = arith.constant 0 : index
    %get3A_54 = arith.constant 256 : index
    %get3A_55 = vector.load %arg5[%get3A_53, %get3A_54] : memref<512x512xbf16, #tpu.memory_space<vmem>>, vector<512x256xbf16>
    %get3A_56 = arith.constant 0 : index
    %get3A_57 = arith.constant 256 : index
    %get3A_58 = vector.load %arg6[%get3A_56, %get3A_57] : memref<512x512xbf16, #tpu.memory_space<vmem>>, vector<512x256xbf16>
    %dot_general3A_59 = arith.constant dense<0.000000e+00> : vector<512x1024xf32>
    %dot_general3A_60 = tpu.matmul %get3A_55, %convert_element_type3A_36, %dot_general3A_59 {dimension_numbers = #tpu.dot_dimension_numbers<[1], [1], [0], [0], [0, 0, 1, 0], [], []>, transpose_lhs_hint = false} : vector<512x256xbf16>, vector<1024x256xbf16>, vector<512x1024xf32> -> vector<512x1024xf32>
    %dot_general3A_61 = arith.constant dense<0.000000e+00> : vector<512x1024xf32>
    %dot_general3A_62 = tpu.matmul %get3A_55, %convert_element_type3A_39, %dot_general3A_61 {dimension_numbers = #tpu.dot_dimension_numbers<[1], [1], [0], [0], [0, 0, 1, 0], [], []>, transpose_lhs_hint = false} : vector<512x256xbf16>, vector<1024x256xbf16>, vector<512x1024xf32> -> vector<512x1024xf32>
    %dot_general3A_63 = arith.constant dense<0.000000e+00> : vector<512x1024xf32>
    %dot_general3A_64 = tpu.matmul %get3A_58, %convert_element_type3A_36, %dot_general3A_63 {dimension_numbers = #tpu.dot_dimension_numbers<[1], [1], [0], [0], [0, 0, 1, 0], [], []>, transpose_lhs_hint = false} : vector<512x256xbf16>, vector<1024x256xbf16>, vector<512x1024xf32> -> vector<512x1024xf32>
    %add3A_65 = arith.addf %dot_general3A_62, %dot_general3A_64 : vector<512x1024xf32>
    %add3A_66 = arith.addf %dot_general3A_60, %add3A_65 : vector<512x1024xf32>
    %add3A_67 = arith.addf %add3A_52, %add3A_66 : vector<512x1024xf32>
    %get3A_68 = arith.constant 0 : index
    %get3A_69 = arith.constant 0 : index
    %get3A_70 = vector.load %arg7[%get3A_68, %get3A_69] : memref<512x1xf32, #tpu.memory_space<vmem>>, vector<512x1xf32>
    %add3A_71 = vector.broadcast %get3A_70 : vector<512x1xf32> to vector<512x1024xf32>
    %add3A_72 = arith.addf %add3A_67, %add3A_71 : vector<512x1024xf32>
    %swap3A = arith.constant 0 : index
    %swap3A_73 = arith.constant 0 : index
    %swap3A_74 = arith.constant 0 : index
    %swap3A_75 = vector.load %arg8[%swap3A, %swap3A_73, %swap3A_74] : memref<1x512x1024xf32, #tpu.memory_space<vmem>>, vector<1x512x1024xf32>
    %swap3A_76 = vector.shape_cast %swap3A_75 : vector<1x512x1024xf32> to vector<512x1024xf32>
    %swap3A_77 = vector.shape_cast %add3A_72 : vector<512x1024xf32> to vector<1x512x1024xf32>
    tpu.vector_store %arg8[%swap3A, %swap3A_73, %swap3A_74], %swap3A_77 {strides = array<i32>} : memref<1x512x1024xf32, #tpu.memory_space<vmem>>, vector<1x512x1024xf32>,
    %eq3A = arith.constant 0 : i32
    %eq3A_78 = arith.cmpi eq, %arg0, %eq3A : i32
    %eq3A_79 = arith.constant 0 : i32
    %eq3A_80 = arith.cmpi eq, %arg1, %eq3A_79 : i32
    %and3A = arith.andi %eq3A_78, %eq3A_80 : i1
    %convert_element_type3A_81 = arith.extui %and3A : i1 to i32
    %cond3A = arith.constant 0 : i32
    %cond3A_82 = arith.cmpi ne, %convert_element_type3A_81, %cond3A : i32
    scf.if %cond3A_82 {
      %broadcast_in_dim3A_102 = arith.constant 0.000000e+00 : f32
      %broadcast_in_dim3A_103 = vector.broadcast %broadcast_in_dim3A_102 : f32 to vector<512x1xf32>
      %swap3A_104 = arith.constant 0 : index
      %swap3A_105 = arith.constant 0 : index
      %swap3A_106 = vector.load %arg9[%swap3A_104, %swap3A_105] : memref<512x1xf32, #tpu.memory_space<vmem>>, vector<512x1xf32>
      tpu.vector_store %arg9[%swap3A_104, %swap3A_105], %broadcast_in_dim3A_103 {strides = array<i32>} : memref<512x1xf32, #tpu.memory_space<vmem>>, vector<512x1xf32>,
      %broadcast_in_dim3A_107 = arith.constant 0.000000e+00 : f32
      %broadcast_in_dim3A_108 = vector.broadcast %broadcast_in_dim3A_107 : f32 to vector<512x1xf32>
      %swap3A_109 = arith.constant 0 : index
      %swap3A_110 = arith.constant 0 : index
      %swap3A_111 = vector.load %arg10[%swap3A_109, %swap3A_110] : memref<512x1xf32, #tpu.memory_space<vmem>>, vector<512x1xf32>
      tpu.vector_store %arg10[%swap3A_109, %swap3A_110], %broadcast_in_dim3A_108 {strides = array<i32>} : memref<512x1xf32, #tpu.memory_space<vmem>>, vector<512x1xf32>,
    } else {
    }
    %get3A_83 = arith.constant 0 : index
    %get3A_84 = arith.constant 0 : index
    %get3A_85 = vector.load %arg9[%get3A_83, %get3A_84] : memref<512x1xf32, #tpu.memory_space<vmem>>, vector<512x1xf32>
    %reduce_sum3A = arith.constant dense<0.000000e+00> : vector<512xf32>
    %reduce_sum3A_86 = vector.multi_reduction <add>, %add3A_72, %reduce_sum3A [1] : vector<512x1024xf32> to vector<512xf32>
    %broadcast_in_dim3A = vector.shape_cast %reduce_sum3A_86 : vector<512xf32> to vector<512x1xf32>
    %add3A_87 = arith.addf %get3A_85, %broadcast_in_dim3A : vector<512x1xf32>
    %swap3A_88 = arith.constant 0 : index
    %swap3A_89 = arith.constant 0 : index
    %swap3A_90 = vector.load %arg9[%swap3A_88, %swap3A_89] : memref<512x1xf32, #tpu.memory_space<vmem>>, vector<512x1xf32>
    tpu.vector_store %arg9[%swap3A_88, %swap3A_89], %add3A_87 {strides = array<i32>} : memref<512x1xf32, #tpu.memory_space<vmem>>, vector<512x1xf32>,
    %get3A_91 = arith.constant 0 : index
    %get3A_92 = arith.constant 0 : index
    %get3A_93 = vector.load %arg10[%get3A_91, %get3A_92] : memref<512x1xf32, #tpu.memory_space<vmem>>, vector<512x1xf32>
    %mul3A_94 = arith.mulf %add3A_72, %add3A_72 : vector<512x1024xf32>
    %reduce_sum3A_95 = arith.constant dense<0.000000e+00> : vector<512xf32>
    %reduce_sum3A_96 = vector.multi_reduction <add>, %mul3A_94, %reduce_sum3A_95 [1] : vector<512x1024xf32> to vector<512xf32>
    %broadcast_in_dim3A_97 = vector.shape_cast %reduce_sum3A_96 : vector<512xf32> to vector<512x1xf32>
    %add3A_98 = arith.addf %get3A_93, %broadcast_in_dim3A_97 : vector<512x1xf32>
    %swap3A_99 = arith.constant 0 : index
    %swap3A_100 = arith.constant 0 : index
    %swap3A_101 = vector.load %arg10[%swap3A_99, %swap3A_100] : memref<512x1xf32, #tpu.memory_space<vmem>>, vector<512x1xf32>
    tpu.vector_store %arg10[%swap3A_99, %swap3A_100], %add3A_98 {strides = array<i32>} : memref<512x1xf32, #tpu.memory_space<vmem>>, vector<512x1xf32>,
    return
  }
  func.func @transform_0(%arg0: i32, %arg1: i32) -> (i32, i32, i32, i32) {
    %c0_i32 = arith.constant 0 : i32
    %c0_i32_0 = arith.constant 0 : i32
    %c0_i32_1 = arith.constant 0 : i32
    return %arg0, %arg1, %c0_i32, %c0_i32_0 : i32, i32, i32, i32
  }
  func.func @transform_1(%arg0: i32, %arg1: i32) -> (i32, i32, i32) {
    %c0_i32 = arith.constant 0 : i32
    %c0_i32_0 = arith.constant 0 : i32
    return %arg0, %arg1, %c0_i32 : i32, i32, i32
  }
  func.func @transform_2(%arg0: i32, %arg1: i32) -> (i32, i32, i32) {
    %c0_i32 = arith.constant 0 : i32
    %c0_i32_0 = arith.constant 0 : i32
    return %arg0, %arg1, %c0_i32 : i32, i32, i32
  }
  func.func @transform_3(%arg0: i32, %arg1: i32) -> (i32, i32) {
    %c0_i32 = arith.constant 0 : i32
    %c0_i32_0 = arith.constant 0 : i32
    %c0_i32_1 = arith.constant 0 : i32
    return %c0_i32, %c0_i32_0 : i32, i32
  }
  func.func @transform_4(%arg0: i32, %arg1: i32) -> (i32, i32) {
    %c0_i32 = arith.constant 0 : i32
    %c0_i32_0 = arith.constant 0 : i32
    %c0_i32_1 = arith.constant 0 : i32
    return %c0_i32, %c0_i32_0 : i32, i32
  }
  func.func @transform_5(%arg0: i32, %arg1: i32) -> (i32, i32) {
    %c0_i32 = arith.constant 0 : i32
    %c0_i32_0 = arith.constant 0 : i32
    %c0_i32_1 = arith.constant 0 : i32
    return %c0_i32, %c0_i32_0 : i32, i32
  }
  func.func @transform_6(%arg0: i32, %arg1: i32) -> (i32, i32, i32) {
    %c0_i32 = arith.constant 0 : i32
    %c0_i32_0 = arith.constant 0 : i32
    return %arg0, %c0_i32, %arg1 : i32, i32, i32
  }
  func.func @transform_7(%arg0: i32, %arg1: i32) -> (i32, i32) {
    %c0_i32 = arith.constant 0 : i32
    %c0_i32_0 = arith.constant 0 : i32
    %c0_i32_1 = arith.constant 0 : i32
    return %c0_i32, %c0_i32_0 : i32, i32
  }
  func.func @transform_8(%arg0: i32, %arg1: i32) -> (i32, i32) {
    %c0_i32 = arith.constant 0 : i32
    %c0_i32_0 = arith.constant 0 : i32
    %c0_i32_1 = arith.constant 0 : i32
    return %c0_i32, %c0_i32_0 : i32, i32
  }
}

module attributes {stable_mosaic.version = 14 : i64} {
  func.func @_stage2(%arg0: i32, %arg1: i32, %arg2: memref<1x512x2048xf32, #tpu.memory_space<vmem>>, %arg3: memref<512x1xf32, #tpu.memory_space<vmem>>, %arg4: memref<512x1xf32, #tpu.memory_space<vmem>>, %arg5: memref<512x1xf32, #tpu.memory_space<vmem>>, %arg6: memref<512x1xf32, #tpu.memory_space<vmem>>, %arg7: memref<512x512xbf16, #tpu.memory_space<vmem>>, %arg8: memref<512x512xbf16, #tpu.memory_space<vmem>>, %arg9: memref<512x1xf32, #tpu.memory_space<vmem>>, %arg10: memref<1x512x2048xf32, #tpu.memory_space<vmem>>, %arg11: memref<512x1xf32, #tpu.memory_space<vmem>>, %arg12: memref<512x1xf32, #tpu.memory_space<vmem>>) attributes {dimension_semantics = [#tpu.dimension_semantics<arbitrary>, #tpu.dimension_semantics<arbitrary>], iteration_bounds = array<i64: 8, 2>, scalar_prefetch = 0 : i64, scratch_operands = 0 : i64, tpu.core_type = #tpu.core_type<tc>, window_params = [{transform_indices = @transform_0, window_bounds = array<i64: 1, 512, 2048>}, {pipeline_mode = #tpu.pipeline_mode<synchronous>, transform_indices = @transform_1, window_bounds = array<i64: 512, 1>}, {pipeline_mode = #tpu.pipeline_mode<synchronous>, transform_indices = @transform_2, window_bounds = array<i64: 512, 1>}, {pipeline_mode = #tpu.pipeline_mode<synchronous>, transform_indices = @transform_3, window_bounds = array<i64: 512, 1>}, {pipeline_mode = #tpu.pipeline_mode<synchronous>, transform_indices = @transform_4, window_bounds = array<i64: 512, 1>}, {pipeline_mode = #tpu.pipeline_mode<synchronous>, transform_indices = @transform_5, window_bounds = array<i64: 512, 512>}, {pipeline_mode = #tpu.pipeline_mode<synchronous>, transform_indices = @transform_6, window_bounds = array<i64: 512, 512>}, {pipeline_mode = #tpu.pipeline_mode<synchronous>, transform_indices = @transform_7, window_bounds = array<i64: 512, 1>}, {transform_indices = @transform_8, window_bounds = array<i64: 1, 512, 2048>}, {pipeline_mode = #tpu.pipeline_mode<synchronous>, transform_indices = @transform_9, window_bounds = array<i64: 512, 1>}, {pipeline_mode = #tpu.pipeline_mode<synchronous>, transform_indices = @transform_10, window_bounds = array<i64: 512, 1>}]} {
    %get3A = arith.constant 0 : index
    %get3A_0 = arith.constant 0 : index
    %get3A_1 = vector.load %arg3[%get3A, %get3A_0] : memref<512x1xf32, #tpu.memory_space<vmem>>, vector<512x1xf32>
    %mul3A = arith.constant 3.05175781E-5 : f32
    %mul3A_2 = vector.broadcast %mul3A : f32 to vector<512x1xf32>
    %mul3A_3 = arith.mulf %get3A_1, %mul3A_2 : vector<512x1xf32>
    %get3A_4 = arith.constant 0 : index
    %get3A_5 = arith.constant 0 : index
    %get3A_6 = vector.load %arg4[%get3A_4, %get3A_5] : memref<512x1xf32, #tpu.memory_space<vmem>>, vector<512x1xf32>
    %mul3A_7 = arith.constant 3.05175781E-5 : f32
    %mul3A_8 = vector.broadcast %mul3A_7 : f32 to vector<512x1xf32>
    %mul3A_9 = arith.mulf %get3A_6, %mul3A_8 : vector<512x1xf32>
    %mul3A_10 = arith.mulf %mul3A_3, %mul3A_3 : vector<512x1xf32>
    %sub3A = arith.subf %mul3A_9, %mul3A_10 : vector<512x1xf32>
    %get3A_11 = arith.constant 0 : index
    %get3A_12 = arith.constant 0 : index
    %get3A_13 = vector.load %arg5[%get3A_11, %get3A_12] : memref<512x1xf32, #tpu.memory_space<vmem>>, vector<512x1xf32>
    %add3A = arith.constant 9.99999974E-6 : f32
    %add3A_14 = vector.broadcast %add3A : f32 to vector<512x1xf32>
    %add3A_15 = arith.addf %sub3A, %add3A_14 : vector<512x1xf32>
    %rsqrt3A = math.rsqrt %add3A_15 : vector<512x1xf32>
    %mul3A_16 = arith.mulf %get3A_13, %rsqrt3A : vector<512x1xf32>
    %get3A_17 = arith.constant 0 : index
    %get3A_18 = arith.constant 0 : index
    %get3A_19 = vector.load %arg6[%get3A_17, %get3A_18] : memref<512x1xf32, #tpu.memory_space<vmem>>, vector<512x1xf32>
    %mul3A_20 = arith.mulf %mul3A_3, %mul3A_16 : vector<512x1xf32>
    %sub3A_21 = arith.subf %get3A_19, %mul3A_20 : vector<512x1xf32>
    %get3A_22 = arith.constant 0 : index
    %get3A_23 = arith.constant 0 : index
    %get3A_24 = arith.constant 0 : index
    %get3A_25 = vector.load %arg2[%get3A_22, %get3A_23, %get3A_24] : memref<1x512x2048xf32, #tpu.memory_space<vmem>>, vector<1x512x2048xf32>
    %get3A_26 = vector.shape_cast %get3A_25 : vector<1x512x2048xf32> to vector<512x2048xf32>
    %mul3A_27 = vector.broadcast %mul3A_16 : vector<512x1xf32> to vector<512x2048xf32>
    %mul3A_28 = arith.mulf %get3A_26, %mul3A_27 : vector<512x2048xf32>
    %add3A_29 = vector.broadcast %sub3A_21 : vector<512x1xf32> to vector<512x2048xf32>
    %add3A_30 = arith.addf %mul3A_28, %add3A_29 : vector<512x2048xf32>
    %max3A = arith.constant 0.000000e+00 : f32
    %max3A_31 = vector.broadcast %max3A : f32 to vector<512x2048xf32>
    %max3A_32 = arith.maximumf %add3A_30, %max3A_31 : vector<512x2048xf32>
    %convert_element_type3A = arith.truncf %max3A_32 : vector<512x2048xf32> to vector<512x2048xbf16>
    %convert_element_type3A_33 = arith.extf %convert_element_type3A : vector<512x2048xbf16> to vector<512x2048xf32>
    %sub3A_34 = arith.subf %max3A_32, %convert_element_type3A_33 : vector<512x2048xf32>
    %convert_element_type3A_35 = arith.truncf %sub3A_34 : vector<512x2048xf32> to vector<512x2048xbf16>
    %get3A_36 = arith.constant 0 : index
    %get3A_37 = arith.constant 0 : index
    %get3A_38 = vector.load %arg7[%get3A_36, %get3A_37] : memref<512x512xbf16, #tpu.memory_space<vmem>>, vector<512x512xbf16>
    %get3A_39 = arith.constant 0 : index
    %get3A_40 = arith.constant 0 : index
    %get3A_41 = vector.load %arg8[%get3A_39, %get3A_40] : memref<512x512xbf16, #tpu.memory_space<vmem>>, vector<512x512xbf16>
    %dot_general3A = arith.constant dense<0.000000e+00> : vector<512x2048xf32>
    %dot_general3A_42 = tpu.matmul %get3A_38, %convert_element_type3A, %dot_general3A {dimension_numbers = #tpu.dot_dimension_numbers<[1], [0], [0], [1], [0, 0, 1, 1], [], []>, transpose_lhs_hint = false} : vector<512x512xbf16>, vector<512x2048xbf16>, vector<512x2048xf32> -> vector<512x2048xf32>
    %dot_general3A_43 = arith.constant dense<0.000000e+00> : vector<512x2048xf32>
    %dot_general3A_44 = tpu.matmul %get3A_38, %convert_element_type3A_35, %dot_general3A_43 {dimension_numbers = #tpu.dot_dimension_numbers<[1], [0], [0], [1], [0, 0, 1, 1], [], []>, transpose_lhs_hint = false} : vector<512x512xbf16>, vector<512x2048xbf16>, vector<512x2048xf32> -> vector<512x2048xf32>
    %dot_general3A_45 = arith.constant dense<0.000000e+00> : vector<512x2048xf32>
    %dot_general3A_46 = tpu.matmul %get3A_41, %convert_element_type3A, %dot_general3A_45 {dimension_numbers = #tpu.dot_dimension_numbers<[1], [0], [0], [1], [0, 0, 1, 1], [], []>, transpose_lhs_hint = false} : vector<512x512xbf16>, vector<512x2048xbf16>, vector<512x2048xf32> -> vector<512x2048xf32>
    %add3A_47 = arith.addf %dot_general3A_44, %dot_general3A_46 : vector<512x2048xf32>
    %add3A_48 = arith.addf %dot_general3A_42, %add3A_47 : vector<512x2048xf32>
    %get3A_49 = arith.constant 0 : index
    %get3A_50 = arith.constant 0 : index
    %get3A_51 = vector.load %arg9[%get3A_49, %get3A_50] : memref<512x1xf32, #tpu.memory_space<vmem>>, vector<512x1xf32>
    %add3A_52 = vector.broadcast %get3A_51 : vector<512x1xf32> to vector<512x2048xf32>
    %add3A_53 = arith.addf %add3A_48, %add3A_52 : vector<512x2048xf32>
    %swap3A = arith.constant 0 : index
    %swap3A_54 = arith.constant 0 : index
    %swap3A_55 = arith.constant 0 : index
    %swap3A_56 = vector.load %arg10[%swap3A, %swap3A_54, %swap3A_55] : memref<1x512x2048xf32, #tpu.memory_space<vmem>>, vector<1x512x2048xf32>
    %swap3A_57 = vector.shape_cast %swap3A_56 : vector<1x512x2048xf32> to vector<512x2048xf32>
    %swap3A_58 = vector.shape_cast %add3A_53 : vector<512x2048xf32> to vector<1x512x2048xf32>
    tpu.vector_store %arg10[%swap3A, %swap3A_54, %swap3A_55], %swap3A_58 {strides = array<i32>} : memref<1x512x2048xf32, #tpu.memory_space<vmem>>, vector<1x512x2048xf32>,
    %eq3A = arith.constant 0 : i32
    %eq3A_59 = arith.cmpi eq, %arg0, %eq3A : i32
    %eq3A_60 = arith.constant 0 : i32
    %eq3A_61 = arith.cmpi eq, %arg1, %eq3A_60 : i32
    %and3A = arith.andi %eq3A_59, %eq3A_61 : i1
    %convert_element_type3A_62 = arith.extui %and3A : i1 to i32
    %cond3A = arith.constant 0 : i32
    %cond3A_63 = arith.cmpi ne, %convert_element_type3A_62, %cond3A : i32
    scf.if %cond3A_63 {
      %broadcast_in_dim3A_83 = arith.constant 0.000000e+00 : f32
      %broadcast_in_dim3A_84 = vector.broadcast %broadcast_in_dim3A_83 : f32 to vector<512x1xf32>
      %swap3A_85 = arith.constant 0 : index
      %swap3A_86 = arith.constant 0 : index
      %swap3A_87 = vector.load %arg11[%swap3A_85, %swap3A_86] : memref<512x1xf32, #tpu.memory_space<vmem>>, vector<512x1xf32>
      tpu.vector_store %arg11[%swap3A_85, %swap3A_86], %broadcast_in_dim3A_84 {strides = array<i32>} : memref<512x1xf32, #tpu.memory_space<vmem>>, vector<512x1xf32>,
      %broadcast_in_dim3A_88 = arith.constant 0.000000e+00 : f32
      %broadcast_in_dim3A_89 = vector.broadcast %broadcast_in_dim3A_88 : f32 to vector<512x1xf32>
      %swap3A_90 = arith.constant 0 : index
      %swap3A_91 = arith.constant 0 : index
      %swap3A_92 = vector.load %arg12[%swap3A_90, %swap3A_91] : memref<512x1xf32, #tpu.memory_space<vmem>>, vector<512x1xf32>
      tpu.vector_store %arg12[%swap3A_90, %swap3A_91], %broadcast_in_dim3A_89 {strides = array<i32>} : memref<512x1xf32, #tpu.memory_space<vmem>>, vector<512x1xf32>,
    } else {
    }
    %get3A_64 = arith.constant 0 : index
    %get3A_65 = arith.constant 0 : index
    %get3A_66 = vector.load %arg11[%get3A_64, %get3A_65] : memref<512x1xf32, #tpu.memory_space<vmem>>, vector<512x1xf32>
    %reduce_sum3A = arith.constant dense<0.000000e+00> : vector<512xf32>
    %reduce_sum3A_67 = vector.multi_reduction <add>, %add3A_53, %reduce_sum3A [1] : vector<512x2048xf32> to vector<512xf32>
    %broadcast_in_dim3A = vector.shape_cast %reduce_sum3A_67 : vector<512xf32> to vector<512x1xf32>
    %add3A_68 = arith.addf %get3A_66, %broadcast_in_dim3A : vector<512x1xf32>
    %swap3A_69 = arith.constant 0 : index
    %swap3A_70 = arith.constant 0 : index
    %swap3A_71 = vector.load %arg11[%swap3A_69, %swap3A_70] : memref<512x1xf32, #tpu.memory_space<vmem>>, vector<512x1xf32>
    tpu.vector_store %arg11[%swap3A_69, %swap3A_70], %add3A_68 {strides = array<i32>} : memref<512x1xf32, #tpu.memory_space<vmem>>, vector<512x1xf32>,
    %get3A_72 = arith.constant 0 : index
    %get3A_73 = arith.constant 0 : index
    %get3A_74 = vector.load %arg12[%get3A_72, %get3A_73] : memref<512x1xf32, #tpu.memory_space<vmem>>, vector<512x1xf32>
    %mul3A_75 = arith.mulf %add3A_53, %add3A_53 : vector<512x2048xf32>
    %reduce_sum3A_76 = arith.constant dense<0.000000e+00> : vector<512xf32>
    %reduce_sum3A_77 = vector.multi_reduction <add>, %mul3A_75, %reduce_sum3A_76 [1] : vector<512x2048xf32> to vector<512xf32>
    %broadcast_in_dim3A_78 = vector.shape_cast %reduce_sum3A_77 : vector<512xf32> to vector<512x1xf32>
    %add3A_79 = arith.addf %get3A_74, %broadcast_in_dim3A_78 : vector<512x1xf32>
    %swap3A_80 = arith.constant 0 : index
    %swap3A_81 = arith.constant 0 : index
    %swap3A_82 = vector.load %arg12[%swap3A_80, %swap3A_81] : memref<512x1xf32, #tpu.memory_space<vmem>>, vector<512x1xf32>
    tpu.vector_store %arg12[%swap3A_80, %swap3A_81], %add3A_79 {strides = array<i32>} : memref<512x1xf32, #tpu.memory_space<vmem>>, vector<512x1xf32>,
    return
  }
  func.func @transform_0(%arg0: i32, %arg1: i32) -> (i32, i32, i32) {
    %c0_i32 = arith.constant 0 : i32
    %c0_i32_0 = arith.constant 0 : i32
    return %arg0, %c0_i32, %arg1 : i32, i32, i32
  }
  func.func @transform_1(%arg0: i32, %arg1: i32) -> (i32, i32) {
    %c0_i32 = arith.constant 0 : i32
    %c0_i32_0 = arith.constant 0 : i32
    %c0_i32_1 = arith.constant 0 : i32
    return %c0_i32, %c0_i32_0 : i32, i32
  }
  func.func @transform_2(%arg0: i32, %arg1: i32) -> (i32, i32) {
    %c0_i32 = arith.constant 0 : i32
    %c0_i32_0 = arith.constant 0 : i32
    %c0_i32_1 = arith.constant 0 : i32
    return %c0_i32, %c0_i32_0 : i32, i32
  }
  func.func @transform_3(%arg0: i32, %arg1: i32) -> (i32, i32) {
    %c0_i32 = arith.constant 0 : i32
    %c0_i32_0 = arith.constant 0 : i32
    %c0_i32_1 = arith.constant 0 : i32
    return %c0_i32, %c0_i32_0 : i32, i32
  }
  func.func @transform_4(%arg0: i32, %arg1: i32) -> (i32, i32) {
    %c0_i32 = arith.constant 0 : i32
    %c0_i32_0 = arith.constant 0 : i32
    %c0_i32_1 = arith.constant 0 : i32
    return %c0_i32, %c0_i32_0 : i32, i32
  }
  func.func @transform_5(%arg0: i32, %arg1: i32) -> (i32, i32) {
    %c0_i32 = arith.constant 0 : i32
    %c0_i32_0 = arith.constant 0 : i32
    %c0_i32_1 = arith.constant 0 : i32
    return %c0_i32, %c0_i32_0 : i32, i32
  }
  func.func @transform_6(%arg0: i32, %arg1: i32) -> (i32, i32) {
    %c0_i32 = arith.constant 0 : i32
    %c0_i32_0 = arith.constant 0 : i32
    %c0_i32_1 = arith.constant 0 : i32
    return %c0_i32, %c0_i32_0 : i32, i32
  }
  func.func @transform_7(%arg0: i32, %arg1: i32) -> (i32, i32) {
    %c0_i32 = arith.constant 0 : i32
    %c0_i32_0 = arith.constant 0 : i32
    %c0_i32_1 = arith.constant 0 : i32
    return %c0_i32, %c0_i32_0 : i32, i32
  }
  func.func @transform_8(%arg0: i32, %arg1: i32) -> (i32, i32, i32) {
    %c0_i32 = arith.constant 0 : i32
    %c0_i32_0 = arith.constant 0 : i32
    return %arg0, %c0_i32, %arg1 : i32, i32, i32
  }
  func.func @transform_9(%arg0: i32, %arg1: i32) -> (i32, i32) {
    %c0_i32 = arith.constant 0 : i32
    %c0_i32_0 = arith.constant 0 : i32
    %c0_i32_1 = arith.constant 0 : i32
    return %c0_i32, %c0_i32_0 : i32, i32
  }
  func.func @transform_10(%arg0: i32, %arg1: i32) -> (i32, i32) {
    %c0_i32 = arith.constant 0 : i32
    %c0_i32_0 = arith.constant 0 : i32
    %c0_i32_1 = arith.constant 0 : i32
    return %c0_i32, %c0_i32_0 : i32, i32
  }
}

module attributes {stable_mosaic.version = 14 : i64} {
  func.func @_stage3(%arg0: i32, %arg1: i32, %arg2: memref<1x512x2048xf32, #tpu.memory_space<vmem>>, %arg3: memref<512x1xf32, #tpu.memory_space<vmem>>, %arg4: memref<512x1xf32, #tpu.memory_space<vmem>>, %arg5: memref<512x1xf32, #tpu.memory_space<vmem>>, %arg6: memref<512x1xf32, #tpu.memory_space<vmem>>, %arg7: memref<1x512x2048xf32, #tpu.memory_space<vmem>>) attributes {dimension_semantics = [#tpu.dimension_semantics<arbitrary>, #tpu.dimension_semantics<arbitrary>], iteration_bounds = array<i64: 8, 2>, scalar_prefetch = 0 : i64, scratch_operands = 0 : i64, tpu.core_type = #tpu.core_type<tc>, window_params = [{transform_indices = @transform_0, window_bounds = array<i64: 1, 512, 2048>}, {pipeline_mode = #tpu.pipeline_mode<synchronous>, transform_indices = @transform_1, window_bounds = array<i64: 512, 1>}, {pipeline_mode = #tpu.pipeline_mode<synchronous>, transform_indices = @transform_2, window_bounds = array<i64: 512, 1>}, {pipeline_mode = #tpu.pipeline_mode<synchronous>, transform_indices = @transform_3, window_bounds = array<i64: 512, 1>}, {pipeline_mode = #tpu.pipeline_mode<synchronous>, transform_indices = @transform_4, window_bounds = array<i64: 512, 1>}, {transform_indices = @transform_5, window_bounds = array<i64: 1, 512, 2048>}]} {
    %get3A = arith.constant 0 : index
    %get3A_0 = arith.constant 0 : index
    %get3A_1 = vector.load %arg3[%get3A, %get3A_0] : memref<512x1xf32, #tpu.memory_space<vmem>>, vector<512x1xf32>
    %mul3A = arith.constant 3.05175781E-5 : f32
    %mul3A_2 = vector.broadcast %mul3A : f32 to vector<512x1xf32>
    %mul3A_3 = arith.mulf %get3A_1, %mul3A_2 : vector<512x1xf32>
    %get3A_4 = arith.constant 0 : index
    %get3A_5 = arith.constant 0 : index
    %get3A_6 = vector.load %arg4[%get3A_4, %get3A_5] : memref<512x1xf32, #tpu.memory_space<vmem>>, vector<512x1xf32>
    %mul3A_7 = arith.constant 3.05175781E-5 : f32
    %mul3A_8 = vector.broadcast %mul3A_7 : f32 to vector<512x1xf32>
    %mul3A_9 = arith.mulf %get3A_6, %mul3A_8 : vector<512x1xf32>
    %mul3A_10 = arith.mulf %mul3A_3, %mul3A_3 : vector<512x1xf32>
    %sub3A = arith.subf %mul3A_9, %mul3A_10 : vector<512x1xf32>
    %get3A_11 = arith.constant 0 : index
    %get3A_12 = arith.constant 0 : index
    %get3A_13 = vector.load %arg5[%get3A_11, %get3A_12] : memref<512x1xf32, #tpu.memory_space<vmem>>, vector<512x1xf32>
    %add3A = arith.constant 9.99999974E-6 : f32
    %add3A_14 = vector.broadcast %add3A : f32 to vector<512x1xf32>
    %add3A_15 = arith.addf %sub3A, %add3A_14 : vector<512x1xf32>
    %rsqrt3A = math.rsqrt %add3A_15 : vector<512x1xf32>
    %mul3A_16 = arith.mulf %get3A_13, %rsqrt3A : vector<512x1xf32>
    %get3A_17 = arith.constant 0 : index
    %get3A_18 = arith.constant 0 : index
    %get3A_19 = vector.load %arg6[%get3A_17, %get3A_18] : memref<512x1xf32, #tpu.memory_space<vmem>>, vector<512x1xf32>
    %mul3A_20 = arith.mulf %mul3A_3, %mul3A_16 : vector<512x1xf32>
    %sub3A_21 = arith.subf %get3A_19, %mul3A_20 : vector<512x1xf32>
    %get3A_22 = arith.constant 0 : index
    %get3A_23 = arith.constant 0 : index
    %get3A_24 = arith.constant 0 : index
    %get3A_25 = vector.load %arg2[%get3A_22, %get3A_23, %get3A_24] : memref<1x512x2048xf32, #tpu.memory_space<vmem>>, vector<1x512x2048xf32>
    %get3A_26 = vector.shape_cast %get3A_25 : vector<1x512x2048xf32> to vector<512x2048xf32>
    %mul3A_27 = vector.broadcast %mul3A_16 : vector<512x1xf32> to vector<512x2048xf32>
    %mul3A_28 = arith.mulf %get3A_26, %mul3A_27 : vector<512x2048xf32>
    %add3A_29 = vector.broadcast %sub3A_21 : vector<512x1xf32> to vector<512x2048xf32>
    %add3A_30 = arith.addf %mul3A_28, %add3A_29 : vector<512x2048xf32>
    %max3A = arith.constant 0.000000e+00 : f32
    %max3A_31 = vector.broadcast %max3A : f32 to vector<512x2048xf32>
    %max3A_32 = arith.maximumf %add3A_30, %max3A_31 : vector<512x2048xf32>
    %swap3A = arith.constant 0 : index
    %swap3A_33 = arith.constant 0 : index
    %swap3A_34 = arith.constant 0 : index
    %swap3A_35 = vector.load %arg7[%swap3A, %swap3A_33, %swap3A_34] : memref<1x512x2048xf32, #tpu.memory_space<vmem>>, vector<1x512x2048xf32>
    %swap3A_36 = vector.shape_cast %swap3A_35 : vector<1x512x2048xf32> to vector<512x2048xf32>
    %swap3A_37 = vector.shape_cast %max3A_32 : vector<512x2048xf32> to vector<1x512x2048xf32>
    tpu.vector_store %arg7[%swap3A, %swap3A_33, %swap3A_34], %swap3A_37 {strides = array<i32>} : memref<1x512x2048xf32, #tpu.memory_space<vmem>>, vector<1x512x2048xf32>,
    return
  }
  func.func @transform_0(%arg0: i32, %arg1: i32) -> (i32, i32, i32) {
    %c0_i32 = arith.constant 0 : i32
    %c0_i32_0 = arith.constant 0 : i32
    return %arg0, %c0_i32, %arg1 : i32, i32, i32
  }
  func.func @transform_1(%arg0: i32, %arg1: i32) -> (i32, i32) {
    %c0_i32 = arith.constant 0 : i32
    %c0_i32_0 = arith.constant 0 : i32
    %c0_i32_1 = arith.constant 0 : i32
    return %c0_i32, %c0_i32_0 : i32, i32
  }
  func.func @transform_2(%arg0: i32, %arg1: i32) -> (i32, i32) {
    %c0_i32 = arith.constant 0 : i32
    %c0_i32_0 = arith.constant 0 : i32
    %c0_i32_1 = arith.constant 0 : i32
    return %c0_i32, %c0_i32_0 : i32, i32
  }
  func.func @transform_3(%arg0: i32, %arg1: i32) -> (i32, i32) {
    %c0_i32 = arith.constant 0 : i32
    %c0_i32_0 = arith.constant 0 : i32
    %c0_i32_1 = arith.constant 0 : i32
    return %c0_i32, %c0_i32_0 : i32, i32
  }
  func.func @transform_4(%arg0: i32, %arg1: i32) -> (i32, i32) {
    %c0_i32 = arith.constant 0 : i32
    %c0_i32_0 = arith.constant 0 : i32
    %c0_i32_1 = arith.constant 0 : i32
    return %c0_i32, %c0_i32_0 : i32, i32
  }
  func.func @transform_5(%arg0: i32, %arg1: i32) -> (i32, i32, i32) {
    %c0_i32 = arith.constant 0 : i32
    %c0_i32_0 = arith.constant 0 : i32
    return %arg0, %c0_i32, %arg1 : i32, i32, i32
  }
}

</mosaic_0001>

<sc_bundles>
// kernel: kernel.7.cloned.1.call-start
scs
__scs_entry_jumppad:
0x0: {  	(pc) =	sbr.rel $0x88, $3  }
0x1: {  	(tag) =	ssettag $0x0;
	lr =	simm.s32 $0x1  }
0x2: {  	[smem:$0x3F95] =	sst lr;
	_ =	strace $0xD0000000  }
0x3: {  	_ = 	snop  }
0x4: {  	_ = 	snop  }
0x5: {  	_ = 	snop  }
0x6: {  	_ = 	snop  }
0x7: {  	_ = 	snop  }
__scs_overlays_trampoline_lowered:
0x8: {  	[smem:$0x3FA4] =	sst s0  }
0x9: {  	[smem:$0x3FA5] =	sst s1  }
0xa: {  	[smem:$0x3FA6] =	sst s2  }
0xb: {  	[smem:$0x3FA7] =	sst s3  }
0xc: {  	[smem:$0x3FA8] =	sst s4  }
0xd: {  	[smem:$0x3FA9] =	sst s5  }
0xe: {  	[smem:$0x3FAA] =	sst s6  }
0xf: {  	[smem:$0x3FAB] =	sst s7  }
0x10: {  	[smem:$0x3FAC] =	sst s8  }
0x11: {  	[smem:$0x3FAD] =	sst s9;
	s0 =	simm.s32 @!p0 $0x0  }
0x12: {  	s1 =	sld [smem:$0x3F93];
	s0 =	simm.s32 @p0 $0x1  }
0x13: {  	[smem:$0x3FAE] =	sst s0;
	s0 =	simm.s32 @!p1 $0x0  }
0x14: {  	s2 =	sld [smem:$0x3F92];
	s0 =	simm.s32 @p1 $0x1  }
0x15: {  	[smem:$0x3FAF] =	sst s0;
	s0 =	simm.s32 @!p2 $0x0  }
0x16: {  	s3 =	sld [smem:$0x3FDB];
	s0 =	simm.s32 @p2 $0x1  }
0x17: {  	s4 =	simm.s32 $0x1BF5;
	[smem:$0x3FB1] =	sst s0  }
0x18: {  	s0 =	sld [smem:$0x3F94];
	_ =	swait.ge [sflag:s4], $0x0  }
0x19: {  	s7 =	sld [smem:$0x3F95]  }
0x1a: {  	s8 =	sadd.s32 $0xFFFFE003, lr  }
0x1b: {  	s9 =	sadd.s32 $0xFFFFFEF7, lr;
	s5 =	simm.s32 $0xFFFFFFFF;
	p2 =	slt.u32 s8, $0xFFFFF086  }
0x1c: {  	p1 =	slt.u32 s9, $0xF7A;
	s5 =	simm.s32 @!p2 $0x0  }
0x1d: {  	s5 =	simm.s32 @p1 $0x1;
	p0 =	seq.s32 s7, s2  }
0x1e: {  	s7 =	smul.u32 @!p0 $0xF7A, s2;
	p2 =	seq.s32 @!p0 s5, $0x0  }
0x1f: {  	s9 =	smul.u32 $0xF7A, s1;
	s8 =	simm.s32 @!p0 $0x1BF5;
	p2 =	por !p2, p0  }
0x20: {  	[sflag:s8] =	ssyncset.s32 @!p0 $0xFFFFF086;
	s6 =	sadd.s32 @!p0 s3, s7;
	s7 =	simm.s32 @!p0 $0x108  }
0x21: {  	s3 =	sadd.s32 s3, s9;
	s6 =	sadd.s32 @!p0 $0x88, s6;
	s7 =	simm.s32 @p2 $0x1082  }
0x22: {  	[simem:s7], [sflag:s8] =	dma.local @!p0 [hbm:s6], $0xF7A  }
0x23: {  	s9 =	sor.u32 $0xD0000000, s2;
	s6 =	simm.s32 $0x108;
	_ =	swait.ge @!p0 [sflag:s8], $0x0  }
0x24: {  	s3 =	sadd.s32 $0x88, s3;
	s6 =	simm.s32 @!p1 $0x1082;
	[sflag:s4] =	ssyncset.s32 $0xFFFFF086  }
0x25: {  	[simem:s6], [sflag:s4] =	dma.local [hbm:s3], $0xF7A  }
0x26: {  	[smem:$0x3F95] =	sst s1;
	(tag) =	ssettag s2;
	_ =	strace s9  }
0x27: {  	s1 =	sld [smem:$0x3FA5]  }
0x28: {  	s2 =	sld [smem:$0x3FA6]  }
0x29: {  	s4 =	sld [smem:$0x3FA8]  }
0x2a: {  	p0 =	seq.s32 s5, $0x0;
	s5 =	sld [smem:$0x3FA9]  }
0x2b: {  	s6 =	sld [smem:$0x3FAA]  }
0x2c: {  	s7 =	sld [smem:$0x3FAB]  }
0x2d: {  	s3 =	simm.s32 $0x108;
	s8 =	sld [smem:$0x3FAC]  }
0x2e: {  	s3 =	simm.s32 @!p0 $0x1082;
	s9 =	sld [smem:$0x3FAD]  }
0x2f: {  	lr =	sadd.s32 s0, s3;
	s0 =	sld [smem:$0x3FA4]  }
0x30: {  	s3 =	sld [smem:$0x3FA7]  }
0x31: {  	[smem:$0x3FB0] =	sst s10  }
0x32: {  	s10 =	sld [smem:$0x3FAE];
	_ =	sdelay $0x3  }
0x33: {  	p0 =	seq.s32 s10, $0x1;
	s10 =	sld [smem:$0x3FB0];
	_ =	sdelay $0x3  }
0x34: {  	[smem:$0x3FB0] =	sst s10  }
0x35: {  	s10 =	sld [smem:$0x3FAF];
	_ =	sdelay $0x3  }
0x36: {  	p1 =	seq.s32 s10, $0x1;
	s10 =	sld [smem:$0x3FB0];
	_ =	sdelay $0x3  }
0x37: {  	[smem:$0x3FB0] =	sst s10  }
0x38: {  	s10 =	sld [smem:$0x3FB1]  }
0x39: {  	_ = 	snop;
	(pc) =	sbr.ind lr, $3  }
0x3a: {  	_ = 	snop  }
0x3b: {  	_ = 	snop  }
0x3c: {  	p2 =	seq.s32 s10, $0x1;
	s10 =	sld [smem:$0x3FB0]  }
0x3d: {  	_ =	shalt  }
0x3e: {  	_ =	shalt  }
0x3f: {  	_ =	shalt  }
0x40: {  	_ =	shalt  }
0x41: {  	_ =	shalt  }
0x42: {  	_ =	shalt  }
0x43: {  	_ =	shalt  }
0x44: {  	_ =	shalt  }
0x45: {  	_ =	shalt  }
0x46: {  	_ =	shalt  }
0x47: {  	_ =	shalt  }
0x48: {  	_ =	shalt  }
0x49: {  	_ =	shalt  }
0x4a: {  	_ =	shalt  }
0x4b: {  	_ =	shalt  }
0x4c: {  	_ =	shalt  }
0x4d: {  	_ =	shalt  }
0x4e: {  	_ =	shalt  }
0x4f: {  	_ =	shalt  }
0x50: {  	_ =	shalt  }
0x51: {  	_ =	shalt  }
0x52: {  	_ =	shalt  }
0x53: {  	_ =	shalt  }
0x54: {  	_ =	shalt  }
0x55: {  	_ =	shalt  }
0x56: {  	_ =	shalt  }
0x57: {  	_ =	shalt  }
0x58: {  	_ =	shalt  }
0x59: {  	_ =	shalt  }
0x5a: {  	_ =	shalt  }
0x5b: {  	_ =	shalt  }
0x5c: {  	_ =	shalt  }
0x5d: {  	_ =	shalt  }
0x5e: {  	_ =	shalt  }
0x5f: {  	_ =	shalt  }
0x60: {  	_ =	shalt  }
0x61: {  	_ =	shalt  }
0x62: {  	_ =	shalt  }
0x63: {  	_ =	shalt  }
0x64: {  	_ =	shalt  }
0x65: {  	_ =	shalt  }
0x66: {  	_ =	shalt  }
0x67: {  	_ =	shalt  }
0x68: {  	_ =	shalt  }
0x69: {  	_ =	shalt  }
0x6a: {  	_ =	shalt  }
0x6b: {  	_ =	shalt  }
0x6c: {  	_ =	shalt  }
0x6d: {  	_ =	shalt  }
0x6e: {  	_ =	shalt  }
0x6f: {  	_ =	shalt  }
0x70: {  	_ =	shalt  }
0x71: {  	_ =	shalt  }
0x72: {  	_ =	shalt  }
0x73: {  	_ =	shalt  }
0x74: {  	_ =	shalt  }
0x75: {  	_ =	shalt  }
0x76: {  	_ =	shalt  }
0x77: {  	_ =	shalt  }
0x78: {  	_ =	shalt  }
0x79: {  	_ =	shalt  }
0x7a: {  	_ =	shalt  }
0x7b: {  	_ =	shalt  }
0x7c: {  	_ =	shalt  }
0x7d: {  	_ =	shalt  }
0x7e: {  	_ =	shalt  }
0x7f: {  	_ =	shalt  }
0x80: {  	_ =	shalt  }
0x81: {  	_ =	shalt  }
0x82: {  	_ =	shalt  }
0x83: {  	_ =	shalt  }
0x84: {  	_ =	shalt  }
0x85: {  	_ =	shalt  }
0x86: {  	_ =	shalt  }
0x87: {  	_ =	shalt  }
.Lfunc_end0:
.L_simem_size_0:
called_computation_lowered:
.L_overlay_start_0:
0x88: {  	s2 =	sld [smem:$0x3FD9]  }
0x89: {  	s3 =	sld [smem:$0x3FFE];
	_ =	sdelay $0x1  }
0x8a: {  	s1 =	srdreg.scid  }
0x8b: {  	s0 =	sand.u32 $0x1, s1  }
0x8c: {  	s17 =	sshll.u32 s0, $0xA;
	s2 =	sadd.s32 s3, s2  }
0x8d: {  	s2 =	sadd.s32 s2, s17  }
0x8e: {  	[smem:$0x3FBC] =	sst s2  }
0x8f: {  	_ = 	snop  }
0x90: {  	s2 =	sld [smem:$0x3FD0];
	(tm) =	ssettm $0x1  }
0x91: {  	s18 =	sld [smem:$0x3FFB];
	_ =	sdelay $0x3  }
0x92: {  	_ =	strace s18  }
0x93: {  	s3 =	sld [smem:$0x3FFC];
	_ =	sdelay $0x3  }
0x94: {  	_ =	strace s3  }
0x95: {  	s3 =	sld [smem:$0x3FFD];
	_ =	sdelay $0x3  }
0x96: {  	_ =	strace s3  }
0x97: {  	_ =	strace $0x8FFFFFFF  }
0x98: {  	s19 =	sld [smem:$0x3FDB];
	_ =	sdelay $0x1  }
0x99: {  	s4 =	simm.s32 $_scs_section_size  }
0x9a: {  	s5 =	simm.s32 $_size__tile_overlayer_lowered;
	s6 =	simm.s32 $_tile_overlayer_lowered  }
0x9b: {  	s22 =	simm.s32 $0x1BFF;
	s21 =	sshll.u32 s6, $0x1;
	s3 =	sadd.s32 s4, s19  }
0x9c: {  	s7 =	simm.s32 $0x0;
	s20 =	sshll.u32 s5, $0x1;
	s5 =	sadd.s32 s21, s3  }
0x9d: {  	[timem:s7], [sflag:s22] =	dma.local [hbm:s5], s20  }
0x9e: {  	_ =	swait.ge [sflag:s22], s20  }
0x9f: {  	s4 =	ssub.s32 $0x0, s20;
	[sflag:s22] =	ssyncset.done $0x0  }
0xa0: {  	[sflag:s22] =	ssyncadd.s32 s4;
	_ =	sdelay $0x1  }
0xa1: {  	s23 =	simm.s32 $0x1B8B  }
0xa2: {  	_ =	swait.ge [sflag:s23], $0x1  }
0xa3: {  	[sflag:s23] =	ssyncset.done $0x0  }
0xa4: {  	s25 =	simm.s32 $0x1B8E;
	s24 =	sld [smem:$0x3FFE];
	[sflag:s23] =	ssyncadd.s32 $0xFFFFFFFF  }
0xa5: {  	s26 =	simm.s32 $execute0_lowered;
	[smem:$0x3FD2] =	sst s25  }
0xa6: {  	s5 =	sshll.u32 s26, $0x1;
	_ =	strace $0x80000046;
	[dreg:$0x1] =	wrdreg $0xFFFFFFFF  }
0xa7: {  	s28 =	simm.s32 $_size_execute0_lowered;
	s3 =	sadd.s32 s3, s5;
	[dreg:$0x0] =	wrdreg $0x0  }
0xa8: {  	s5 =	sshll.u32 s28, $0x1;
	[dreg:$0x2] =	wrdreg s3  }
0xa9: {  	[dreg:$0x3] =	wrdreg s5  }
0xaa: {  	[dreg:$0x4] =	wrdreg $0xC0  }
0xab: {  	_ =	task [dreg:s7], $0x5FFFF  }
0xac: {  	[dreg:$0x1] =	wrdreg $0xFFFFFFFF  }
0xad: {  	[dreg:$0x0] =	wrdreg $0x60  }
0xae: {  	[dreg:$0x2] =	wrdreg s2  }
0xaf: {  	[dreg:$0x3] =	wrdreg s24  }
0xb0: {  	[dreg:$0x4] =	wrdreg $0x9  }
0xb1: {  	_ =	task.clear_ibuf [dreg:s7], $0x5FFFF;
	_ =	strace $0x90000046  }
0xb2: {  	s29 =	simm.s32 $0x9;
	_ =	strace $0x8000004F  }
0xb3: {  	_ =	swait.ge [sflag:s29], $0x1  }
0xb4: {  	[sflag:s29] =	ssyncadd.s32 $0xFFFFFFFF  }
0xb5: {  	_ =	strace $0x9000004F  }
0xb6: {  	_ =	sfence  }
0xb7: {  	s30 =	sld [smem:$0x0];
	_ =	sdelay $0x2  }
0xb8: {  	s31 =	sshll.u32 s1, $0xD;
	s1 =	sshrl.u32 s1, $0x2  }
0xb9: {  	s3 =	sand.u32 $0x4000, s31;
	s1 =	sadd.s32 s1, s30  }
0xba: {  	s0 =	sor.u32 s3, s0;
	s1 =	sshll.u32 s1, $0x11  }
0xbb: {  	s0 =	sor.u32 s1, s0  }
0xbc: {  	s0 =	sadd.s32 $0x8F2B, s0  }
0xbd: {  	[sflag:s0] =	ssyncadd.remote.s32 $0x1  }
0xbe: {  	_ =	sfence.sel $0xFFFF  }
0xbf: {  	[dreg:$0x0] =	wrdreg $0xFFFFFFFF;
	(pc) =	sbr.abs _section_cstart, $3  }
0xc0: {  	[dreg:$0x1] =	wrdreg $0xFFFFFFFF  }
0xc1: {  	_ =	task.clear_ibuf [dreg:s7], $0x2FFFF;
	_ =	strace $0x9FFFFFFF  }
0xc2: {  	(tm) =	ssettm $0x7FFFFFFF  }
0xc3: {  	_ =	shalt  }
tec
execute0_lowered:
.L_overlay_start_1:
0x0: {  	(tag) =	ssettag $0x1  }
0x1: {  	s1 =	rddreg [dreg:$0x0]  }
0x2: {  	s5 =	rddreg [dreg:$0x1]  }
0x3: {  	s0 =	rddreg [dreg:$0x2]  }
0x4: {  	s2 =	simm.s32 $0x0;
	s3 =	srdreg.scid;
	s9 =	simm.s32 $0x4  }
0x5: {  	s10 =	simm.s32 $0x0;
	[smem:$0x7FF] =	sst s2;
	s4 =	sadd.s32 $0x83600, s5  }
0x6: {  	s6 =	sand.u32 $0x1, s3;
	s3 =	stileid.u32;
	s5 =	sadd.s32 $0x87600, s5  }
0x7: {  	_ =	strace $0x80000047;
	s7 =	ssub.s32 $0x2, s6;
	s6 =	sshll.u32 s6, $0x4  }
0x8: {  	v2 =	vlaneseq.u32;
	[dreg:$0x3] =	wrdreg s5;
	s8 =	sshrl.u32 s7, $0x1;
	s6 =	sor.u32 s3, s6  }
0x9: {  	vm0 =	vmmov $0xffff;
	v1 =	vshrl.u32 v2, $0x3;
	s7 =	ssub.s32 s7, s8;
	s31 =	sshll.u32 s6, $0x9;
	s5 =	sshll.u32 s6, $0x5  }
0xa: {  	v0 =	vand.u32 $0x7, v2;
	v2 =	vor.u32 $0x8, v2;
	v1 =	vmul.u32 $0x8, v1;
	s8 =	simm.s32 $0x5;
	s6 =	sadd.s32 s4, s31;
	s7 =	smax.u32 s7, $0x1  }
.LBB2_1:
0xb: {  	_ =	strace $0x80000048;
	s11 =	simm.s32 $0x20  }
0xc: {  	s12 =	simm.s32 $0x0;
	s13 =	simm.s32 $0x0;
	s14 =	simm.s32 $0x0  }
0xd: {  	[tilespmem:s2], [sflag:$0x1] =	stream.linear.gather [hbm4b:s6+s2], $0x80, $0x200038;
	[tilespmem:$0x10100] =	vst v63  }
0xe: {  	s15 =	simm.s32 $0x0;
	s16 =	simm.s32 $0x1;
	_ =	strace $0x90000048  }
.LBB2_2:
0xf: {  	s17 =	smov.u32 s12;
	s12 =	sadd.s32 $0x1, s12  }
0x10: {  	p0 =	seq.s32 s12, $0x20  }
0x11: {  	s12 =	simm.s32 @p0 $0x0  }
0x12: {  	p6 =	sne.s32 s11, $0x1;
	p1 =	sne.s32 s17, s12  }
0x13: {  	p0 =	por !p6, !p1  }
0x14: {  	p0 =	por !p0, !p0  }
0x15: {  	s18 =	sadd.s32 @p0 s5, s12  }
0x16: {  	s19 =	sand.u32 @p0 $0x1, s16;
	s18 =	sshll.u32 @p0 s18, $0x4  }
0x17: {  	_ =	strace @p0 $0x80000049;
	s21 =	simm.s32 @p0 $0x0;
	s18 =	sand.u32 @p0 $0x1FFFFFF0, s18  }
0x18: {  	s20 =	sshll.u32 @p0 s19, $0x7;
	s19 =	sadd.s32 @p0 $0x1, s19;
	s18 =	sadd.s32 @p0 s4, s18  }
0x19: {  	[tilespmem:s20], [sflag:s19] =	stream.linear.gather @p0 [hbm4b:s18+s21], $0x80, $0x200038;
	[tilespmem:$0x10100] =	vst v63  }
0x1a: {  	s24 =	sand.u32 $0x1, s15;
	_ =	strace @p0 $0x90000049  }
0x1b: {  	s18 =	sadd.s32 $0x1, s24;
	_ =	strace $0x8000004A  }
0x1c: {  	_ =	swait.ge [sflag:s18], $0x80  }
0x1d: {  	[sflag:s18] =	ssyncset.done $0x0  }
0x1e: {  	[sflag:s18] =	ssyncadd.s32 $0xFFFFFF80  }
0x1f: {  	s25 =	sshll.u32 s15, $0x7;
	_ =	strace $0x9000004A  }
0x20: {  	s21 =	sand.u32 $0x80, s25;
	_ =	strace $0x8000004B  }
0x21: {  	v3 =	vld [tilespmem:s21+$0x0];
	_ =	sdelay $0x4  }
0x22: {  	v4 =	vshll.u32 v3, $0x1  }
0x23: {  	v3 =	vand.u32 $0x7, v3;
	v4 =	vand.u32 $0xFFFFFFF0, v4  }
0x24: {  	v3 =	vor.u32 v3, v4  }
0x25: {  	v4 =	vperm.xlane v3, v0;
	_ =	sdelay $0x1  }
0x26: {  	v3 =	vperm.xlane v3, v2;
	v4 =	vadd.s32 v1, v4;
	_ =	sdelay $0x1  }
0x27: {  	s18 =	sand.u32 $0x1, s14;
	v3 =	vadd.s32 v1, v3  }
0x28: {  	s20 =	sshll.u32 s18, $0xF  }
0x29: {  	s19 =	sor.u32 $0x100, s20  }
0x2a: {  	[tilespmem:s19], [sflag:$0x5] =	stream.indirect_vreg.gather [hbm4b:s1+s2], $0x80, v4, vm0, $0x2000b8;
	[tilespmem:$0x10100] =	vst v63  }
0x2b: {  	s22 =	sor.u32 $0x900, s20  }
0x2c: {  	[tilespmem:s22], [sflag:$0x5] =	stream.indirect_vreg.gather [hbm4b:s1+s2], $0x80, v3, vm0, $0x2000b8;
	[tilespmem:$0x10100] =	vst v63  }
0x2d: {  	v3 =	vld [tilespmem:s21+$0x10];
	_ =	sdelay $0x4  }
0x2e: {  	v57 =	vshll.u32 v3, $0x1  }
0x2f: {  	v3 =	vand.u32 $0x7, v3;
	v4 =	vand.u32 $0xFFFFFFF0, v57  }
0x30: {  	v3 =	vor.u32 v3, v4  }
0x31: {  	v4 =	vperm.xlane v3, v0;
	_ =	sdelay $0x1  }
0x32: {  	v3 =	vperm.xlane v3, v2;
	v4 =	vadd.s32 v1, v4;
	_ =	sdelay $0x1  }
0x33: {  	v3 =	vadd.s32 v1, v3;
	_ =	sdelay $0x1  }
0x34: {  	s26 =	sor.u32 $0x1100, s20  }
0x35: {  	[tilespmem:s26], [sflag:$0x5] =	stream.indirect_vreg.gather [hbm4b:s1+s2], $0x80, v4, vm0, $0x2000b8;
	[tilespmem:$0x10100] =	vst v63  }
0x36: {  	s28 =	sor.u32 $0x1900, s20  }
0x37: {  	[tilespmem:s28], [sflag:$0x5] =	stream.indirect_vreg.gather [hbm4b:s1+s2], $0x80, v3, vm0, $0x2000b8;
	[tilespmem:$0x10100] =	vst v63  }
0x38: {  	v3 =	vld [tilespmem:s21+$0x20];
	_ =	sdelay $0x4  }
0x39: {  	v58 =	vshll.u32 v3, $0x1  }
0x3a: {  	v3 =	vand.u32 $0x7, v3;
	v4 =	vand.u32 $0xFFFFFFF0, v58  }
0x3b: {  	v3 =	vor.u32 v3, v4  }
0x3c: {  	v4 =	vperm.xlane v3, v0;
	_ =	sdelay $0x1  }
0x3d: {  	v3 =	vperm.xlane v3, v2;
	v4 =	vadd.s32 v1, v4;
	_ =	sdelay $0x1  }
0x3e: {  	v3 =	vadd.s32 v1, v3;
	_ =	sdelay $0x1  }
0x3f: {  	s29 =	sor.u32 $0x2100, s20  }
0x40: {  	[tilespmem:s29], [sflag:$0x5] =	stream.indirect_vreg.gather [hbm4b:s1+s2], $0x80, v4, vm0, $0x2000b8;
	[tilespmem:$0x10100] =	vst v63  }
0x41: {  	s30 =	sor.u32 $0x2900, s20  }
0x42: {  	[tilespmem:s30], [sflag:$0x5] =	stream.indirect_vreg.gather [hbm4b:s1+s2], $0x80, v3, vm0, $0x2000b8;
	[tilespmem:$0x10100] =	vst v63  }
0x43: {  	v3 =	vld [tilespmem:s21+$0x30];
	_ =	sdelay $0x4  }
0x44: {  	v59 =	vshll.u32 v3, $0x1  }
0x45: {  	v3 =	vand.u32 $0x7, v3;
	v4 =	vand.u32 $0xFFFFFFF0, v59  }
0x46: {  	v3 =	vor.u32 v3, v4  }
0x47: {  	v4 =	vperm.xlane v3, v0;
	_ =	sdelay $0x1  }
0x48: {  	v3 =	vperm.xlane v3, v2;
	v4 =	vadd.s32 v1, v4;
	_ =	sdelay $0x1  }
0x49: {  	v3 =	vadd.s32 v1, v3;
	_ =	sdelay $0x1  }
0x4a: {  	s31 =	sor.u32 $0x3100, s20  }
0x4b: {  	[tilespmem:s31], [sflag:$0x5] =	stream.indirect_vreg.gather [hbm4b:s1+s2], $0x80, v4, vm0, $0x2000b8;
	[tilespmem:$0x10100] =	vst v63  }
0x4c: {  	s23 =	sor.u32 $0x3900, s20  }
0x4d: {  	[tilespmem:s23], [sflag:$0x5] =	stream.indirect_vreg.gather [hbm4b:s1+s2], $0x80, v3, vm0, $0x2000b8;
	[tilespmem:$0x10100] =	vst v63  }
0x4e: {  	v3 =	vld [tilespmem:s21+$0x40];
	_ =	sdelay $0x4  }
0x4f: {  	v60 =	vshll.u32 v3, $0x1  }
0x50: {  	v3 =	vand.u32 $0x7, v3;
	v4 =	vand.u32 $0xFFFFFFF0, v60  }
0x51: {  	v3 =	vor.u32 v3, v4  }
0x52: {  	v4 =	vperm.xlane v3, v0;
	_ =	sdelay $0x1  }
0x53: {  	v3 =	vperm.xlane v3, v2;
	v4 =	vadd.s32 v1, v4;
	_ =	sdelay $0x1  }
0x54: {  	v3 =	vadd.s32 v1, v3;
	_ =	sdelay $0x1  }
0x55: {  	s24 =	sor.u32 $0x4100, s20  }
0x56: {  	[tilespmem:s24], [sflag:$0x5] =	stream.indirect_vreg.gather [hbm4b:s1+s2], $0x80, v4, vm0, $0x2000b8;
	[tilespmem:$0x10100] =	vst v63  }
0x57: {  	s25 =	sor.u32 $0x4900, s20  }
0x58: {  	[tilespmem:s25], [sflag:$0x5] =	stream.indirect_vreg.gather [hbm4b:s1+s2], $0x80, v3, vm0, $0x2000b8;
	[tilespmem:$0x10100] =	vst v63  }
0x59: {  	v3 =	vld [tilespmem:s21+$0x50];
	_ =	sdelay $0x4  }
0x5a: {  	v61 =	vshll.u32 v3, $0x1  }
0x5b: {  	v3 =	vand.u32 $0x7, v3;
	v4 =	vand.u32 $0xFFFFFFF0, v61  }
0x5c: {  	v3 =	vor.u32 v3, v4  }
0x5d: {  	v4 =	vperm.xlane v3, v0;
	_ =	sdelay $0x1  }
0x5e: {  	v3 =	vperm.xlane v3, v2;
	v4 =	vadd.s32 v1, v4;
	_ =	sdelay $0x1  }
0x5f: {  	v3 =	vadd.s32 v1, v3;
	_ =	sdelay $0x1  }
0x60: {  	s26 =	sor.u32 $0x5100, s20  }
0x61: {  	[tilespmem:s26], [sflag:$0x5] =	stream.indirect_vreg.gather [hbm4b:s1+s2], $0x80, v4, vm0, $0x2000b8;
	[tilespmem:$0x10100] =	vst v63  }
0x62: {  	s28 =	sor.u32 $0x5900, s20  }
0x63: {  	[tilespmem:s28], [sflag:$0x5] =	stream.indirect_vreg.gather [hbm4b:s1+s2], $0x80, v3, vm0, $0x2000b8;
	[tilespmem:$0x10100] =	vst v63  }
0x64: {  	v3 =	vld [tilespmem:s21+$0x60];
	_ =	sdelay $0x4  }
0x65: {  	v62 =	vshll.u32 v3, $0x1  }
0x66: {  	v3 =	vand.u32 $0x7, v3;
	v4 =	vand.u32 $0xFFFFFFF0, v62  }
0x67: {  	v3 =	vor.u32 v3, v4  }
0x68: {  	v4 =	vperm.xlane v3, v0;
	_ =	sdelay $0x1  }
0x69: {  	v3 =	vperm.xlane v3, v2;
	v4 =	vadd.s32 v1, v4;
	_ =	sdelay $0x1  }
0x6a: {  	v3 =	vadd.s32 v1, v3;
	_ =	sdelay $0x1  }
0x6b: {  	s29 =	sor.u32 $0x6100, s20  }
0x6c: {  	[tilespmem:s29], [sflag:$0x5] =	stream.indirect_vreg.gather [hbm4b:s1+s2], $0x80, v4, vm0, $0x2000b8;
	[tilespmem:$0x10100] =	vst v63  }
0x6d: {  	s30 =	sor.u32 $0x6900, s20  }
0x6e: {  	[tilespmem:s30], [sflag:$0x5] =	stream.indirect_vreg.gather [hbm4b:s1+s2], $0x80, v3, vm0, $0x2000b8;
	[tilespmem:$0x10100] =	vst v63  }
0x6f: {  	v3 =	vld [tilespmem:s21+$0x70];
	_ =	sdelay $0x4  }
0x70: {  	v63 =	vshll.u32 v3, $0x1  }
0x71: {  	v3 =	vand.u32 $0x7, v3;
	v4 =	vand.u32 $0xFFFFFFF0, v63  }
0x72: {  	v3 =	vor.u32 v3, v4  }
0x73: {  	v4 =	vperm.xlane v3, v0;
	_ =	sdelay $0x1  }
0x74: {  	v3 =	vperm.xlane v3, v2;
	v4 =	vadd.s32 v1, v4;
	_ =	sdelay $0x1  }
0x75: {  	v3 =	vadd.s32 v1, v3;
	_ =	sdelay $0x1  }
0x76: {  	s31 =	sor.u32 $0x7100, s20  }
0x77: {  	[tilespmem:s31], [sflag:$0x5] =	stream.indirect_vreg.gather [hbm4b:s1+s2], $0x80, v4, vm0, $0x2000b8;
	[tilespmem:$0x10100] =	vst v63  }
0x78: {  	s20 =	sor.u32 $0x7900, s20  }
0x79: {  	[tilespmem:s20], [sflag:$0x5] =	stream.indirect_vreg.gather [hbm4b:s1+s2], $0x80, v3, vm0, $0x2000b8;
	[tilespmem:$0x10100] =	vst v63  }
0x7a: {  	_ =	swait.ge [sflag:s8], $0x8000  }
0x7b: {  	p2 =	seq.s32 s11, $0x1;
	[sflag:s8] =	ssyncset.done $0x0  }
0x7c: {  	s17 =	sadd.s32 s5, s17;
	p1 =	por p2, p1;
	[sflag:s8] =	ssyncadd.s32 $0xFFFF8000  }
0x7d: {  	s17 =	sshll.u32 @p1 s17, $0xC;
	_ =	strace $0x9000004B  }
0x7e: {  	s17 =	sand.u32 @p1 $0x1FFFF000, s17;
	s21 =	simm.s32 $0x1;
	_ =	strace @p1 $0x8000004C  }
0x7f: {  	s18 =	sadd.s32 @p1 $0x3, s18;
	s21 =	simm.s32 @!p0 $0x0;
	s20 =	rddreg [dreg:$0x3]  }
0x80: {  	p0 =	seq.s32 s11, $0x20;
	s17 =	sadd.s32 @p1 s20, s17;
	s20 =	simm.s32 @p1 $0x0  }
0x81: {  	[hbm4b:s17+s20] =	stream.linear.scatter @p1 [tilespmem:s19], [sflag:s18], $0x8000, $0x200038;
	[tilespmem:$0x10100] =	vst v63  }
0x82: {  	s17 =	simm.s32 $0x1;
	s19 =	simm.s32 $0x1;
	_ =	strace @p1 $0x9000004C  }
0x83: {  	s17 =	simm.s32 @!p1 $0x0;
	p1 =	sne.s32 s11, $0x20;
	s11 =	sadd.s32 $0xFFFFFFFF, s11  }
0x84: {  	s18 =	sand.u32 @!p0 $0x1, s13;
	s19 =	simm.s32 @!p1 $0x0;
	p1 =	sne.s32 s11, $0x0  }
.Ltmp0:
0x85: {  	s18 =	sadd.s32 @!p0 $0x3, s18;
	_ =	strace @!p0 $0x8000004D;
	(pc) =	sbr.rel @p1 .LBB2_2-.Ltmp0, $4  }
0x86: {  	_ =	swait.ge @!p0 [sflag:s18], $0x8000  }
0x87: {  	[sflag:s18] =	ssyncset.done @!p0 $0x0  }
0x88: {  	s16 =	sadd.s32 s21, s16;
	s14 =	sadd.s32 s17, s14;
	[sflag:s18] =	ssyncadd.s32 @!p0 $0xFFFF8000  }
0x89: {  	s15 =	sadd.s32 s17, s15;
	s13 =	sadd.s32 s19, s13;
	_ =	strace @!p0 $0x9000004D  }
0x8a: {  	s10 =	sadd.s32 $0x1, s10  }
0x8b: {  	p0 =	sne.s32 s10, s7  }
.Ltmp1:
0x8c: {  	_ =	strace $0x8000004E;
	(pc) =	sbr.rel @p0 .LBB2_1-.Ltmp1, $4  }
0x8d: {  	_ =	swait.ge [sflag:s9], $0x8000  }
0x8e: {  	[sflag:s9] =	ssyncset.done $0x0  }
0x8f: {  	[sflag:s9] =	ssyncadd.s32 $0xFFFF8000  }
0x90: {  	_ =	strace $0x9000004E  }
0x91: {  	_ =	sfence.sel $0x180000  }
0x92: {  	[bflag:$0x0] =	sbarrier.arrive $0xFFFF  }
0x93: {  	p0 =	sne.s32 s3, $0x0;
	_ =	strace $0x90000047  }
0x94: {  	s0 =	sadd.s32 @!p0 $0x100000, s0;
	[bflag:$0x2] =	sbarrier.arrive $0xFFFF  }
0x95: {  	[sflag:s0] =	ssyncadd.tile.s32 @!p0 $0x1;
	_ =	shalt  }
.Lfunc_end2:
_tile_overlayer_lowered:
.L_overlay_start_2:
0x96: {  	(tag) =	ssettag $0x2  }
0x97: {  	s0 =	rddreg [dreg:$0x0];
	s2 =	stileid.u32  }
0x98: {  	s1 =	rddreg [dreg:$0x1];
	p0 =	sne.s32 s2, $0x0  }
0x99: {  	s3 =	rddreg [dreg:$0x2];
	[bflag:$0x3] =	sbarrier.arrive $0xFFFF;
	s2 =	simm.s32 @!p0 $0x1C01  }
0x9a: {  	[timem:s3], [sflag:s2] =	dma.local @!p0 [hbm:s0], s1  }
0x9b: {  	s0 =	simm.s32 @!p0 $0x1  }
0x9c: {  	_ =	swait.ge @!p0 [sflag:s0], s1  }
0x9d: {  	s1 =	ssub.s32 @!p0 $0x0, s1;
	[sflag:s0] =	ssyncset.done @!p0 $0x0  }
0x9e: {  	[sflag:s0] =	ssyncadd.s32 @!p0 s1  }
0x9f: {  	[bflag:$0x3] =	sbarrier.arrive $0xFFFF  }
0xa0: {  	_ =	shalt  }

</sc_bundles>
